<compile_context>
chip_gen: v7x
topology: tpu7x:2x2x1
jax: 0.10.2.dev20260603
libtpu: 0.0.44.dev20260713+nightly
codegen_flags: <defaults>
</compile_context>

<pallas_src>
import functools

import jax
import jax.numpy as jnp
from jax import lax
from jax.experimental import pallas as pl
from jax.experimental.pallas import tpu as pltpu
from jax.experimental.pallas import tpu_sc as plsc

_N = 10000
_D = 128
_C = 128
_NC = 2
_NS = 16
_NW = _NC * _NS
_KPS = 5
_RPT = _KPS * _C
_NPAD = _NS * _RPT


def _zero_fill(buf):
  zero16 = jnp.zeros((16,), jnp.float32)

  @pl.loop(0, _C)
  def _(i):
    for j in range(_D // 16):
      buf[i, pl.ds(j * 16, 16)] = zero16


def _sc_scatter_kernel(gather_rows, chunks):

  def kfn(x_hbm, src_hbm, dst_hbm, out_hbm,
          src_v, dst_v, rows_v, work_v, agg_sh, sem):
    cid = lax.axis_index("c")
    sid = lax.axis_index("s")
    wid = sid * _NC + cid
    base = wid * chunks * _C
    rbase = sid * _RPT

    _zero_fill(rows_v)
    for k in range(_KPS):
      pltpu.sync_copy(rows_v, agg_sh.at[pl.ds(rbase + k * _C, _C)])

    if not gather_rows:
      one16 = jnp.ones((16,), jnp.float32)

      @pl.loop(0, _C)
      def _(i):
        for j in range(_D // 16):
          work_v[i, pl.ds(j * 16, 16)] = one16

    plsc.subcore_barrier()

    @pl.loop(0, chunks)
    def _(g):
      off = base + g * _C
      pltpu.sync_copy(dst_hbm.at[pl.ds(off, _C)], dst_v)
      if gather_rows:
        pltpu.sync_copy(src_hbm.at[pl.ds(off, _C)], src_v)
        pltpu.async_copy(x_hbm.at[src_v], work_v, sem).wait()
      pltpu.sync_copy(work_v, agg_sh.at[dst_v], add=True)

    plsc.subcore_barrier()

    for k in range(_KPS):
      r = rbase + k * _C
      pltpu.sync_copy(agg_sh.at[pl.ds(r, _C)], rows_v)
      pltpu.sync_copy(rows_v, out_hbm.at[cid, pl.ds(r, _C)])

  return kfn


def _sc_run(x, src, dst, gather_rows):
  chunks = src.shape[0] // (_NW * _C)
  mesh = plsc.VectorSubcoreMesh(core_axis_name="c", subcore_axis_name="s")
  return functools.partial(
      pl.kernel,
      mesh=mesh,
      out_type=jax.ShapeDtypeStruct((_NC, _NPAD, _D), jnp.float32),
      scratch_types=[
          pltpu.VMEM((_C,), jnp.int32),
          pltpu.VMEM((_C,), jnp.int32),
          pltpu.VMEM((_C, _D), jnp.float32),
          pltpu.VMEM((_C, _D), jnp.float32),
          pltpu.VMEM_SHARED((_NPAD, _D), jnp.float32),
          pltpu.SemaphoreType.DMA,
      ],
  )(_sc_scatter_kernel(gather_rows, chunks))(x, src, dst)


def _combine(x, w_self, w_nbr, b2d, agg, deg):
  rows = 1000
  grid = (_N // rows,)

  def body(x_ref, ws_ref, wn_ref, b_ref, a_ref, d_ref, o_ref):
    a = a_ref[0] + a_ref[1]
    d = d_ref[0][:, 0:1] + d_ref[1][:, 0:1]
    a = a / jnp.maximum(d, 1.0)
    out = (jnp.dot(x_ref[...], ws_ref[...], preferred_element_type=jnp.float32)
           + jnp.dot(a, wn_ref[...], preferred_element_type=jnp.float32)
           + b_ref[...])
    o_ref[...] = jnp.maximum(out, 0.0)

  return pl.pallas_call(
      body,
      grid=grid,
      in_specs=[
          pl.BlockSpec((rows, _D), lambda i: (i, 0)),
          pl.BlockSpec((_D, _D), lambda i: (0, 0)),
          pl.BlockSpec((_D, _D), lambda i: (0, 0)),
          pl.BlockSpec((1, _D), lambda i: (0, 0)),
          pl.BlockSpec((_NC, rows, _D), lambda i: (0, i, 0)),
          pl.BlockSpec((_NC, rows, _D), lambda i: (0, i, 0)),
      ],
      out_specs=pl.BlockSpec((rows, _D), lambda i: (i, 0)),
      out_shape=jax.ShapeDtypeStruct((_N, _D), jnp.float32),
  )(x, w_self, w_nbr, b2d, agg, deg)


def kernel(x, edge_index, W_self, W_nbr, b):
  src = edge_index[0]
  dst = edge_index[1]
  e = src.shape[0]
  ept = -(-e // (_NW * _C)) * _C
  epad = ept * _NW - e
  src = jnp.concatenate([src, jnp.zeros((epad,), jnp.int32)])
  fill = _N + (jnp.arange(epad, dtype=jnp.int32) % (_NPAD - _N))
  dst = jnp.concatenate([dst, fill])
  agg = _sc_run(x, src, dst, gather_rows=True)
  deg = _sc_run(x, src, dst, gather_rows=False)
  return _combine(x, W_self, W_nbr, b.reshape(1, _D), agg, deg)

# --- scband reference (transcript-rebuilt; emitter-appended) ---
"""Pipeline reference for scband-region-interaction-graph-2903397892110 (READ-ONLY COPY).

The authoritative reference and input builder live on the scoring server;
editing this copy changes nothing except your own understanding.
"""

import jax, jax.numpy as jnp
import numpy as np

N_NODES = 10000
N_EDGES = 320000
D_FEAT = 128


def setup_inputs(seed: int = 0) -> dict:
    key = jax.random.key(seed)
    k1, k2, k3, k4 = jax.random.split(key, 4)
    x = jax.random.normal(k1, (N_NODES, D_FEAT), dtype=jnp.float32)
    edge_index = jax.random.randint(k2, (2, N_EDGES), 0, N_NODES, dtype=jnp.int32)
    W_self = jax.random.normal(k3, (D_FEAT, D_FEAT), dtype=jnp.float32) * (1.0 / np.sqrt(D_FEAT))
    W_nbr = jax.random.normal(k4, (D_FEAT, D_FEAT), dtype=jnp.float32) * (1.0 / np.sqrt(D_FEAT))
    b = jnp.zeros((D_FEAT,), dtype=jnp.float32)
    return {"x": x, "edge_index": edge_index, "W_self": W_self, "W_nbr": W_nbr, "b": b}


def reference(x, edge_index, W_self, W_nbr, b):
    # Region-interaction message passing layer (GCN/SAGE-style):
    # transform node features once, gather along source nodes,
    # scatter-add (mean-normalized) to destination nodes, combine with self path.
    src = edge_index[0]
    dst = edge_index[1]
    h = x @ W_nbr                              # [N, D] node-side transform (cheap)
    msg = jnp.take(h, src, axis=0)             # [E, D] gather (memory-bound)
    agg = jax.ops.segment_sum(msg, dst, num_segments=x.shape[0])  # [N, D] scatter-add
    deg = jax.ops.segment_sum(jnp.ones((edge_index.shape[1],), dtype=x.dtype), dst,
                              num_segments=x.shape[0])
    agg = agg / jnp.clip(deg, 1.0)[:, None]    # mean aggregation
    out = x @ W_self + agg + b
    return jax.nn.relu(out)

if __name__ == "__main__":
    import jax
    _d = setup_inputs()
    print(jax.jit(kernel)(*tuple(_d.values())))

</pallas_src>

<mosaic_0001>
#map = affine_map<(d0, d1) -> (0, 0)>
#map1 = affine_map<(d0, d1) -> (0)>
#map2 = affine_map<(d0, d1) -> (0, 0, 0)>
module attributes {stable_mosaic.version = 14 : i64} {
  func.func @kfn(%arg0: i32, %arg1: i32, %arg2: memref<10000x128xf32, #tpu.memory_space<hbm>>, %arg3: memref<323584xi32, #tpu.memory_space<hbm>>, %arg4: memref<323584xi32, #tpu.memory_space<hbm>>, %arg5: memref<2x10240x128xf32, #tpu.memory_space<hbm>>, %arg6: memref<128xi32, #tpu.memory_space<vmem>>, %arg7: memref<128xi32, #tpu.memory_space<vmem>>, %arg8: memref<128x128xf32, #tpu.memory_space<vmem>>, %arg9: memref<128x128xf32, #tpu.memory_space<vmem>>, %arg10: memref<10240x128xf32, #tpu.memory_space<vmem_shared>>, %arg11: memref<!tpu.dma_semaphore, #tpu.memory_space<semaphore_mem>>) attributes {dimension_semantics = [#tpu.dimension_semantics<core_parallel>, #tpu.dimension_semantics<subcore_parallel>], iteration_bounds = array<i64: 2, 16>, scalar_prefetch = 0 : i64, scratch_operands = 6 : i64, tpu.core_type = #tpu.core_type<sc_vector_subcore>, window_params = [{transform_indices = #map}, {transform_indices = #map1}, {transform_indices = #map1}, {transform_indices = #map2}]} {
    %mul3A = arith.constant 2 : i32
    %mul3A_0 = arith.muli %arg1, %mul3A : i32
    %add3A = arith.addi %mul3A_0, %arg0 : i32
    %mul3A_1 = arith.constant 79 : i32
    %mul3A_2 = arith.muli %add3A, %mul3A_1 : i32
    %mul3A_3 = arith.constant 128 : i32
    %mul3A_4 = arith.muli %mul3A_2, %mul3A_3 : i32
    %mul3A_5 = arith.constant 640 : i32
    %mul3A_6 = arith.muli %arg1, %mul3A_5 : i32
    %broadcast_in_dim3A = arith.constant 0.000000e+00 : f32
    %broadcast_in_dim3A_7 = vector.broadcast %broadcast_in_dim3A : f32 to vector<16xf32>
    %scan3A = arith.constant 0 : i32
    %scan3A_8 = arith.constant 128 : i32
    %scan3A_9 = arith.addi %scan3A, %scan3A_8 : i32
    %scan3A_10 = arith.constant 1 : i32
    scf.for %scan3A_38 = %scan3A to %scan3A_9 step %scan3A_10  : i32 {
      %mul3A_39 = arith.constant 1 : i32
      %mul3A_40 = arith.muli %scan3A_38, %mul3A_39 : i32
      %add3A_41 = arith.constant 0 : i32
      %add3A_42 = arith.addi %add3A_41, %mul3A_40 : i32
      %swap3A = arith.index_cast %add3A_42 : i32 to index
      %swap3A_43 = arith.constant 0 : index
      %swap3A_44 = tpu.vector_load %arg8[%swap3A, %swap3A_43] {strides = array<i32>} : memref<128x128xf32, #tpu.memory_space<vmem>>, vector<1x16xf32>,
      %swap3A_45 = vector.shape_cast %swap3A_44 : vector<1x16xf32> to vector<16xf32>
      %swap3A_46 = vector.shape_cast %broadcast_in_dim3A_7 : vector<16xf32> to vector<1x16xf32>
      tpu.vector_store %arg8[%swap3A, %swap3A_43], %swap3A_46 {strides = array<i32>} : memref<128x128xf32, #tpu.memory_space<vmem>>, vector<1x16xf32>,
      %swap3A_47 = arith.index_cast %add3A_42 : i32 to index
      %swap3A_48 = arith.constant 16 : index
      %swap3A_49 = tpu.vector_load %arg8[%swap3A_47, %swap3A_48] {strides = array<i32>} : memref<128x128xf32, #tpu.memory_space<vmem>>, vector<1x16xf32>,
      %swap3A_50 = vector.shape_cast %swap3A_49 : vector<1x16xf32> to vector<16xf32>
      %swap3A_51 = vector.shape_cast %broadcast_in_dim3A_7 : vector<16xf32> to vector<1x16xf32>
      tpu.vector_store %arg8[%swap3A_47, %swap3A_48], %swap3A_51 {strides = array<i32>} : memref<128x128xf32, #tpu.memory_space<vmem>>, vector<1x16xf32>,
      %swap3A_52 = arith.index_cast %add3A_42 : i32 to index
      %swap3A_53 = arith.constant 32 : index
      %swap3A_54 = tpu.vector_load %arg8[%swap3A_52, %swap3A_53] {strides = array<i32>} : memref<128x128xf32, #tpu.memory_space<vmem>>, vector<1x16xf32>,
      %swap3A_55 = vector.shape_cast %swap3A_54 : vector<1x16xf32> to vector<16xf32>
      %swap3A_56 = vector.shape_cast %broadcast_in_dim3A_7 : vector<16xf32> to vector<1x16xf32>
      tpu.vector_store %arg8[%swap3A_52, %swap3A_53], %swap3A_56 {strides = array<i32>} : memref<128x128xf32, #tpu.memory_space<vmem>>, vector<1x16xf32>,
      %swap3A_57 = arith.index_cast %add3A_42 : i32 to index
      %swap3A_58 = arith.constant 48 : index
      %swap3A_59 = tpu.vector_load %arg8[%swap3A_57, %swap3A_58] {strides = array<i32>} : memref<128x128xf32, #tpu.memory_space<vmem>>, vector<1x16xf32>,
      %swap3A_60 = vector.shape_cast %swap3A_59 : vector<1x16xf32> to vector<16xf32>
      %swap3A_61 = vector.shape_cast %broadcast_in_dim3A_7 : vector<16xf32> to vector<1x16xf32>
      tpu.vector_store %arg8[%swap3A_57, %swap3A_58], %swap3A_61 {strides = array<i32>} : memref<128x128xf32, #tpu.memory_space<vmem>>, vector<1x16xf32>,
      %swap3A_62 = arith.index_cast %add3A_42 : i32 to index
      %swap3A_63 = arith.constant 64 : index
      %swap3A_64 = tpu.vector_load %arg8[%swap3A_62, %swap3A_63] {strides = array<i32>} : memref<128x128xf32, #tpu.memory_space<vmem>>, vector<1x16xf32>,
      %swap3A_65 = vector.shape_cast %swap3A_64 : vector<1x16xf32> to vector<16xf32>
      %swap3A_66 = vector.shape_cast %broadcast_in_dim3A_7 : vector<16xf32> to vector<1x16xf32>
      tpu.vector_store %arg8[%swap3A_62, %swap3A_63], %swap3A_66 {strides = array<i32>} : memref<128x128xf32, #tpu.memory_space<vmem>>, vector<1x16xf32>,
      %swap3A_67 = arith.index_cast %add3A_42 : i32 to index
      %swap3A_68 = arith.constant 80 : index
      %swap3A_69 = tpu.vector_load %arg8[%swap3A_67, %swap3A_68] {strides = array<i32>} : memref<128x128xf32, #tpu.memory_space<vmem>>, vector<1x16xf32>,
      %swap3A_70 = vector.shape_cast %swap3A_69 : vector<1x16xf32> to vector<16xf32>
      %swap3A_71 = vector.shape_cast %broadcast_in_dim3A_7 : vector<16xf32> to vector<1x16xf32>
      tpu.vector_store %arg8[%swap3A_67, %swap3A_68], %swap3A_71 {strides = array<i32>} : memref<128x128xf32, #tpu.memory_space<vmem>>, vector<1x16xf32>,
      %swap3A_72 = arith.index_cast %add3A_42 : i32 to index
      %swap3A_73 = arith.constant 96 : index
      %swap3A_74 = tpu.vector_load %arg8[%swap3A_72, %swap3A_73] {strides = array<i32>} : memref<128x128xf32, #tpu.memory_space<vmem>>, vector<1x16xf32>,
      %swap3A_75 = vector.shape_cast %swap3A_74 : vector<1x16xf32> to vector<16xf32>
      %swap3A_76 = vector.shape_cast %broadcast_in_dim3A_7 : vector<16xf32> to vector<1x16xf32>
      tpu.vector_store %arg8[%swap3A_72, %swap3A_73], %swap3A_76 {strides = array<i32>} : memref<128x128xf32, #tpu.memory_space<vmem>>, vector<1x16xf32>,
      %swap3A_77 = arith.index_cast %add3A_42 : i32 to index
      %swap3A_78 = arith.constant 112 : index
      %swap3A_79 = tpu.vector_load %arg8[%swap3A_77, %swap3A_78] {strides = array<i32>} : memref<128x128xf32, #tpu.memory_space<vmem>>, vector<1x16xf32>,
      %swap3A_80 = vector.shape_cast %swap3A_79 : vector<1x16xf32> to vector<16xf32>
      %swap3A_81 = vector.shape_cast %broadcast_in_dim3A_7 : vector<16xf32> to vector<1x16xf32>
      tpu.vector_store %arg8[%swap3A_77, %swap3A_78], %swap3A_81 {strides = array<i32>} : memref<128x128xf32, #tpu.memory_space<vmem>>, vector<1x16xf32>,
    }
    %scan3A_11 = arith.constant 128 : i32
    %add3A_12 = arith.constant 0 : i32
    %add3A_13 = arith.addi %mul3A_6, %add3A_12 : i32
    "tpu.region"() ({
      %run_scoped3A = tpu.sem_alloc : memref<!tpu.dma_semaphore, #tpu.memory_space<semaphore_mem>>
      %dma_start3A = arith.constant 0 : i32
      %dma_start3A_38 = tpu.memref_slice %arg10[%add3A_13, %dma_start3A] : memref<10240x128xf32, #tpu.memory_space<vmem_shared>> -> memref<128x128xf32, #tpu.memory_space<vmem_shared>>
      %dma_start3A_39 = arith.constant 0 : i32
      %dma_start3A_40 = tpu.memref_slice %arg10[%add3A_13, %dma_start3A_39] : memref<10240x128xf32, #tpu.memory_space<vmem_shared>> -> memref<128x128xf32, #tpu.memory_space<vmem_shared>>
      tpu.enqueue_dma source(%arg8 : memref<128x128xf32, #tpu.memory_space<vmem>>) target(%dma_start3A_40 : memref<128x128xf32, #tpu.memory_space<vmem_shared>>) target_semaphore(%run_scoped3A : memref<!tpu.dma_semaphore, #tpu.memory_space<semaphore_mem>>)
      %dma_wait3A = arith.constant 0 : i32
      %dma_wait3A_41 = tpu.memref_slice %arg10[%add3A_13, %dma_wait3A] : memref<10240x128xf32, #tpu.memory_space<vmem_shared>> -> memref<128x128xf32, #tpu.memory_space<vmem_shared>>
      %dma_wait3A_42 = arith.constant 0 : i32
      %dma_wait3A_43 = tpu.memref_slice %arg10[%add3A_13, %dma_wait3A_42] : memref<10240x128xf32, #tpu.memory_space<vmem_shared>> -> memref<128x128xf32, #tpu.memory_space<vmem_shared>>
      tpu.wait_dma2 semaphore(%run_scoped3A : memref<!tpu.dma_semaphore, #tpu.memory_space<semaphore_mem>>) src(%arg8 : memref<128x128xf32, #tpu.memory_space<vmem>>) dst(%dma_wait3A_43 : memref<128x128xf32, #tpu.memory_space<vmem_shared>>)
      tpu.yield
    }) : () -> ()
    %add3A_14 = arith.constant 128 : i32
    %add3A_15 = arith.addi %mul3A_6, %add3A_14 : i32
    "tpu.region"() ({
      %run_scoped3A = tpu.sem_alloc : memref<!tpu.dma_semaphore, #tpu.memory_space<semaphore_mem>>
      %dma_start3A = arith.constant 0 : i32
      %dma_start3A_38 = tpu.memref_slice %arg10[%add3A_15, %dma_start3A] : memref<10240x128xf32, #tpu.memory_space<vmem_shared>> -> memref<128x128xf32, #tpu.memory_space<vmem_shared>>
      %dma_start3A_39 = arith.constant 0 : i32
      %dma_start3A_40 = tpu.memref_slice %arg10[%add3A_15, %dma_start3A_39] : memref<10240x128xf32, #tpu.memory_space<vmem_shared>> -> memref<128x128xf32, #tpu.memory_space<vmem_shared>>
      tpu.enqueue_dma source(%arg8 : memref<128x128xf32, #tpu.memory_space<vmem>>) target(%dma_start3A_40 : memref<128x128xf32, #tpu.memory_space<vmem_shared>>) target_semaphore(%run_scoped3A : memref<!tpu.dma_semaphore, #tpu.memory_space<semaphore_mem>>)
      %dma_wait3A = arith.constant 0 : i32
      %dma_wait3A_41 = tpu.memref_slice %arg10[%add3A_15, %dma_wait3A] : memref<10240x128xf32, #tpu.memory_space<vmem_shared>> -> memref<128x128xf32, #tpu.memory_space<vmem_shared>>
      %dma_wait3A_42 = arith.constant 0 : i32
      %dma_wait3A_43 = tpu.memref_slice %arg10[%add3A_15, %dma_wait3A_42] : memref<10240x128xf32, #tpu.memory_space<vmem_shared>> -> memref<128x128xf32, #tpu.memory_space<vmem_shared>>
      tpu.wait_dma2 semaphore(%run_scoped3A : memref<!tpu.dma_semaphore, #tpu.memory_space<semaphore_mem>>) src(%arg8 : memref<128x128xf32, #tpu.memory_space<vmem>>) dst(%dma_wait3A_43 : memref<128x128xf32, #tpu.memory_space<vmem_shared>>)
      tpu.yield
    }) : () -> ()
    %add3A_16 = arith.constant 256 : i32
    %add3A_17 = arith.addi %mul3A_6, %add3A_16 : i32
    "tpu.region"() ({
      %run_scoped3A = tpu.sem_alloc : memref<!tpu.dma_semaphore, #tpu.memory_space<semaphore_mem>>
      %dma_start3A = arith.constant 0 : i32
      %dma_start3A_38 = tpu.memref_slice %arg10[%add3A_17, %dma_start3A] : memref<10240x128xf32, #tpu.memory_space<vmem_shared>> -> memref<128x128xf32, #tpu.memory_space<vmem_shared>>
      %dma_start3A_39 = arith.constant 0 : i32
      %dma_start3A_40 = tpu.memref_slice %arg10[%add3A_17, %dma_start3A_39] : memref<10240x128xf32, #tpu.memory_space<vmem_shared>> -> memref<128x128xf32, #tpu.memory_space<vmem_shared>>
      tpu.enqueue_dma source(%arg8 : memref<128x128xf32, #tpu.memory_space<vmem>>) target(%dma_start3A_40 : memref<128x128xf32, #tpu.memory_space<vmem_shared>>) target_semaphore(%run_scoped3A : memref<!tpu.dma_semaphore, #tpu.memory_space<semaphore_mem>>)
      %dma_wait3A = arith.constant 0 : i32
      %dma_wait3A_41 = tpu.memref_slice %arg10[%add3A_17, %dma_wait3A] : memref<10240x128xf32, #tpu.memory_space<vmem_shared>> -> memref<128x128xf32, #tpu.memory_space<vmem_shared>>
      %dma_wait3A_42 = arith.constant 0 : i32
      %dma_wait3A_43 = tpu.memref_slice %arg10[%add3A_17, %dma_wait3A_42] : memref<10240x128xf32, #tpu.memory_space<vmem_shared>> -> memref<128x128xf32, #tpu.memory_space<vmem_shared>>
      tpu.wait_dma2 semaphore(%run_scoped3A : memref<!tpu.dma_semaphore, #tpu.memory_space<semaphore_mem>>) src(%arg8 : memref<128x128xf32, #tpu.memory_space<vmem>>) dst(%dma_wait3A_43 : memref<128x128xf32, #tpu.memory_space<vmem_shared>>)
      tpu.yield
    }) : () -> ()
    %add3A_18 = arith.constant 384 : i32
    %add3A_19 = arith.addi %mul3A_6, %add3A_18 : i32
    "tpu.region"() ({
      %run_scoped3A = tpu.sem_alloc : memref<!tpu.dma_semaphore, #tpu.memory_space<semaphore_mem>>
      %dma_start3A = arith.constant 0 : i32
      %dma_start3A_38 = tpu.memref_slice %arg10[%add3A_19, %dma_start3A] : memref<10240x128xf32, #tpu.memory_space<vmem_shared>> -> memref<128x128xf32, #tpu.memory_space<vmem_shared>>
      %dma_start3A_39 = arith.constant 0 : i32
      %dma_start3A_40 = tpu.memref_slice %arg10[%add3A_19, %dma_start3A_39] : memref<10240x128xf32, #tpu.memory_space<vmem_shared>> -> memref<128x128xf32, #tpu.memory_space<vmem_shared>>
      tpu.enqueue_dma source(%arg8 : memref<128x128xf32, #tpu.memory_space<vmem>>) target(%dma_start3A_40 : memref<128x128xf32, #tpu.memory_space<vmem_shared>>) target_semaphore(%run_scoped3A : memref<!tpu.dma_semaphore, #tpu.memory_space<semaphore_mem>>)
      %dma_wait3A = arith.constant 0 : i32
      %dma_wait3A_41 = tpu.memref_slice %arg10[%add3A_19, %dma_wait3A] : memref<10240x128xf32, #tpu.memory_space<vmem_shared>> -> memref<128x128xf32, #tpu.memory_space<vmem_shared>>
      %dma_wait3A_42 = arith.constant 0 : i32
      %dma_wait3A_43 = tpu.memref_slice %arg10[%add3A_19, %dma_wait3A_42] : memref<10240x128xf32, #tpu.memory_space<vmem_shared>> -> memref<128x128xf32, #tpu.memory_space<vmem_shared>>
      tpu.wait_dma2 semaphore(%run_scoped3A : memref<!tpu.dma_semaphore, #tpu.memory_space<semaphore_mem>>) src(%arg8 : memref<128x128xf32, #tpu.memory_space<vmem>>) dst(%dma_wait3A_43 : memref<128x128xf32, #tpu.memory_space<vmem_shared>>)
      tpu.yield
    }) : () -> ()
    %add3A_20 = arith.constant 512 : i32
    %add3A_21 = arith.addi %mul3A_6, %add3A_20 : i32
    "tpu.region"() ({
      %run_scoped3A = tpu.sem_alloc : memref<!tpu.dma_semaphore, #tpu.memory_space<semaphore_mem>>
      %dma_start3A = arith.constant 0 : i32
      %dma_start3A_38 = tpu.memref_slice %arg10[%add3A_21, %dma_start3A] : memref<10240x128xf32, #tpu.memory_space<vmem_shared>> -> memref<128x128xf32, #tpu.memory_space<vmem_shared>>
      %dma_start3A_39 = arith.constant 0 : i32
      %dma_start3A_40 = tpu.memref_slice %arg10[%add3A_21, %dma_start3A_39] : memref<10240x128xf32, #tpu.memory_space<vmem_shared>> -> memref<128x128xf32, #tpu.memory_space<vmem_shared>>
      tpu.enqueue_dma source(%arg8 : memref<128x128xf32, #tpu.memory_space<vmem>>) target(%dma_start3A_40 : memref<128x128xf32, #tpu.memory_space<vmem_shared>>) target_semaphore(%run_scoped3A : memref<!tpu.dma_semaphore, #tpu.memory_space<semaphore_mem>>)
      %dma_wait3A = arith.constant 0 : i32
      %dma_wait3A_41 = tpu.memref_slice %arg10[%add3A_21, %dma_wait3A] : memref<10240x128xf32, #tpu.memory_space<vmem_shared>> -> memref<128x128xf32, #tpu.memory_space<vmem_shared>>
      %dma_wait3A_42 = arith.constant 0 : i32
      %dma_wait3A_43 = tpu.memref_slice %arg10[%add3A_21, %dma_wait3A_42] : memref<10240x128xf32, #tpu.memory_space<vmem_shared>> -> memref<128x128xf32, #tpu.memory_space<vmem_shared>>
      tpu.wait_dma2 semaphore(%run_scoped3A : memref<!tpu.dma_semaphore, #tpu.memory_space<semaphore_mem>>) src(%arg8 : memref<128x128xf32, #tpu.memory_space<vmem>>) dst(%dma_wait3A_43 : memref<128x128xf32, #tpu.memory_space<vmem_shared>>)
      tpu.yield
    }) : () -> ()
    %barrier3A = arith.constant 0 : index
    tpu.barrier barrier_id(%barrier3A)
    %scan3A_22 = arith.constant 0 : i32
    %scan3A_23 = arith.constant 79 : i32
    %scan3A_24 = arith.addi %scan3A_22, %scan3A_23 : i32
    %scan3A_25 = arith.constant 1 : i32
    scf.for %scan3A_38 = %scan3A_22 to %scan3A_24 step %scan3A_25  : i32 {
      %mul3A_39 = arith.constant 1 : i32
      %mul3A_40 = arith.muli %scan3A_38, %mul3A_39 : i32
      %add3A_41 = arith.constant 0 : i32
      %add3A_42 = arith.addi %add3A_41, %mul3A_40 : i32
      %mul3A_43 = arith.constant 128 : i32
      %mul3A_44 = arith.muli %add3A_42, %mul3A_43 : i32
      %add3A_45 = arith.addi %mul3A_4, %mul3A_44 : i32
      "tpu.region"() ({
        %run_scoped3A = tpu.sem_alloc : memref<!tpu.dma_semaphore, #tpu.memory_space<semaphore_mem>>
        %dma_start3A_50 = tpu.memref_slice %arg4[%add3A_45] : memref<323584xi32, #tpu.memory_space<hbm>> -> memref<128xi32, #tpu.memory_space<hbm>>
        %dma_start3A_51 = tpu.memref_slice %arg4[%add3A_45] : memref<323584xi32, #tpu.memory_space<hbm>> -> memref<128xi32, #tpu.memory_space<hbm>>
        tpu.enqueue_dma source(%dma_start3A_51 : memref<128xi32, #tpu.memory_space<hbm>>) target(%arg7 : memref<128xi32, #tpu.memory_space<vmem>>) target_semaphore(%run_scoped3A : memref<!tpu.dma_semaphore, #tpu.memory_space<semaphore_mem>>)
        %dma_wait3A_52 = tpu.memref_slice %arg4[%add3A_45] : memref<323584xi32, #tpu.memory_space<hbm>> -> memref<128xi32, #tpu.memory_space<hbm>>
        %dma_wait3A_53 = tpu.memref_slice %arg4[%add3A_45] : memref<323584xi32, #tpu.memory_space<hbm>> -> memref<128xi32, #tpu.memory_space<hbm>>
        tpu.wait_dma2 semaphore(%run_scoped3A : memref<!tpu.dma_semaphore, #tpu.memory_space<semaphore_mem>>) src(%dma_wait3A_53 : memref<128xi32, #tpu.memory_space<hbm>>) dst(%arg7 : memref<128xi32, #tpu.memory_space<vmem>>)
        tpu.yield
      }) : () -> ()
      "tpu.region"() ({
        %run_scoped3A = tpu.sem_alloc : memref<!tpu.dma_semaphore, #tpu.memory_space<semaphore_mem>>
        %dma_start3A_50 = tpu.memref_slice %arg3[%add3A_45] : memref<323584xi32, #tpu.memory_space<hbm>> -> memref<128xi32, #tpu.memory_space<hbm>>
        %dma_start3A_51 = tpu.memref_slice %arg3[%add3A_45] : memref<323584xi32, #tpu.memory_space<hbm>> -> memref<128xi32, #tpu.memory_space<hbm>>
        tpu.enqueue_dma source(%dma_start3A_51 : memref<128xi32, #tpu.memory_space<hbm>>) target(%arg6 : memref<128xi32, #tpu.memory_space<vmem>>) target_semaphore(%run_scoped3A : memref<!tpu.dma_semaphore, #tpu.memory_space<semaphore_mem>>)
        %dma_wait3A_52 = tpu.memref_slice %arg3[%add3A_45] : memref<323584xi32, #tpu.memory_space<hbm>> -> memref<128xi32, #tpu.memory_space<hbm>>
        %dma_wait3A_53 = tpu.memref_slice %arg3[%add3A_45] : memref<323584xi32, #tpu.memory_space<hbm>> -> memref<128xi32, #tpu.memory_space<hbm>>
        tpu.wait_dma2 semaphore(%run_scoped3A : memref<!tpu.dma_semaphore, #tpu.memory_space<semaphore_mem>>) src(%dma_wait3A_53 : memref<128xi32, #tpu.memory_space<hbm>>) dst(%arg6 : memref<128xi32, #tpu.memory_space<vmem>>)
        tpu.yield
      }) : () -> ()
      %dma_start3A = arith.constant 0 : i32
      %dma_start3A_46 = arith.constant 0 : i32
      %dma_start3A_47 = tpu.memref_slice %arg2[%dma_start3A, %dma_start3A_46] : memref<10000x128xf32, #tpu.memory_space<hbm>> -> memref<10000x128xf32, #tpu.memory_space<hbm>>
      tpu.enqueue_indirect_dma source(%dma_start3A_47 : memref<10000x128xf32, #tpu.memory_space<hbm>>) target(%arg9 : memref<128x128xf32, #tpu.memory_space<vmem>>) offsets(%arg6 : memref<128xi32, #tpu.memory_space<vmem>>) semaphore(%arg11 : memref<!tpu.dma_semaphore, #tpu.memory_space<semaphore_mem>>)
      %dma_wait3A = arith.constant 0 : i32
      %dma_wait3A_48 = arith.constant 0 : i32
      %dma_wait3A_49 = tpu.memref_slice %arg2[%dma_wait3A, %dma_wait3A_48] : memref<10000x128xf32, #tpu.memory_space<hbm>> -> memref<10000x128xf32, #tpu.memory_space<hbm>>
      tpu.wait_indirect_dma semaphore(%arg11 : memref<!tpu.dma_semaphore, #tpu.memory_space<semaphore_mem>>) src(%dma_wait3A_49 : memref<10000x128xf32, #tpu.memory_space<hbm>>) dst(%arg9 : memref<128x128xf32, #tpu.memory_space<vmem>>)
      "tpu.region"() ({
        %run_scoped3A = tpu.sem_alloc : memref<!tpu.dma_semaphore, #tpu.memory_space<semaphore_mem>>
        %dma_start3A_50 = arith.constant 0 : i32
        %dma_start3A_51 = arith.constant 0 : i32
        %dma_start3A_52 = tpu.memref_slice %arg10[%dma_start3A_50, %dma_start3A_51] : memref<10240x128xf32, #tpu.memory_space<vmem_shared>> -> memref<10240x128xf32, #tpu.memory_space<vmem_shared>>
        tpu.enqueue_indirect_dma source(%arg9 : memref<128x128xf32, #tpu.memory_space<vmem>>) target(%dma_start3A_52 : memref<10240x128xf32, #tpu.memory_space<vmem_shared>>) offsets(%arg7 : memref<128xi32, #tpu.memory_space<vmem>>) semaphore(%run_scoped3A : memref<!tpu.dma_semaphore, #tpu.memory_space<semaphore_mem>>) {add = true}
        %dma_wait3A_53 = arith.constant 0 : i32
        %dma_wait3A_54 = arith.constant 0 : i32
        %dma_wait3A_55 = tpu.memref_slice %arg10[%dma_wait3A_53, %dma_wait3A_54] : memref<10240x128xf32, #tpu.memory_space<vmem_shared>> -> memref<10240x128xf32, #tpu.memory_space<vmem_shared>>
        tpu.wait_indirect_dma semaphore(%run_scoped3A : memref<!tpu.dma_semaphore, #tpu.memory_space<semaphore_mem>>) src(%arg9 : memref<128x128xf32, #tpu.memory_space<vmem>>) dst(%dma_wait3A_55 : memref<10240x128xf32, #tpu.memory_space<vmem_shared>>)
        tpu.yield
      }) : () -> ()
    }
    %scan3A_26 = arith.constant 79 : i32
    %barrier3A_27 = arith.constant 0 : index
    tpu.barrier barrier_id(%barrier3A_27)
    %add3A_28 = arith.constant 0 : i32
    %add3A_29 = arith.addi %mul3A_6, %add3A_28 : i32
    "tpu.region"() ({
      %run_scoped3A = tpu.sem_alloc : memref<!tpu.dma_semaphore, #tpu.memory_space<semaphore_mem>>
      %dma_start3A = arith.constant 0 : i32
      %dma_start3A_38 = tpu.memref_slice %arg10[%add3A_29, %dma_start3A] : memref<10240x128xf32, #tpu.memory_space<vmem_shared>> -> memref<128x128xf32, #tpu.memory_space<vmem_shared>>
      %dma_start3A_39 = arith.constant 0 : i32
      %dma_start3A_40 = tpu.memref_slice %arg10[%add3A_29, %dma_start3A_39] : memref<10240x128xf32, #tpu.memory_space<vmem_shared>> -> memref<128x128xf32, #tpu.memory_space<vmem_shared>>
      tpu.enqueue_dma source(%dma_start3A_40 : memref<128x128xf32, #tpu.memory_space<vmem_shared>>) target(%arg8 : memref<128x128xf32, #tpu.memory_space<vmem>>) target_semaphore(%run_scoped3A : memref<!tpu.dma_semaphore, #tpu.memory_space<semaphore_mem>>)
      %dma_wait3A = arith.constant 0 : i32
      %dma_wait3A_41 = tpu.memref_slice %arg10[%add3A_29, %dma_wait3A] : memref<10240x128xf32, #tpu.memory_space<vmem_shared>> -> memref<128x128xf32, #tpu.memory_space<vmem_shared>>
      %dma_wait3A_42 = arith.constant 0 : i32
      %dma_wait3A_43 = tpu.memref_slice %arg10[%add3A_29, %dma_wait3A_42] : memref<10240x128xf32, #tpu.memory_space<vmem_shared>> -> memref<128x128xf32, #tpu.memory_space<vmem_shared>>
      tpu.wait_dma2 semaphore(%run_scoped3A : memref<!tpu.dma_semaphore, #tpu.memory_space<semaphore_mem>>) src(%dma_wait3A_43 : memref<128x128xf32, #tpu.memory_space<vmem_shared>>) dst(%arg8 : memref<128x128xf32, #tpu.memory_space<vmem>>)
      tpu.yield
    }) : () -> ()
    "tpu.region"() ({
      %run_scoped3A = tpu.sem_alloc : memref<!tpu.dma_semaphore, #tpu.memory_space<semaphore_mem>>
      %dma_start3A = arith.constant 0 : i32
      %dma_start3A_38 = tpu.memref_slice %arg5[%arg0, %add3A_29, %dma_start3A] : memref<2x10240x128xf32, #tpu.memory_space<hbm>> -> memref<1x128x128xf32, #tpu.memory_space<hbm>>
      %dma_start3A_39 = tpu.memref_squeeze %dma_start3A_38 : memref<1x128x128xf32, #tpu.memory_space<hbm>> -> memref<128x128xf32, #tpu.memory_space<hbm>>
      %dma_start3A_40 = arith.constant 0 : i32
      %dma_start3A_41 = tpu.memref_slice %arg5[%arg0, %add3A_29, %dma_start3A_40] : memref<2x10240x128xf32, #tpu.memory_space<hbm>> -> memref<1x128x128xf32, #tpu.memory_space<hbm>>
      %dma_start3A_42 = tpu.memref_squeeze %dma_start3A_41 : memref<1x128x128xf32, #tpu.memory_space<hbm>> -> memref<128x128xf32, #tpu.memory_space<hbm>>
      tpu.enqueue_dma source(%arg8 : memref<128x128xf32, #tpu.memory_space<vmem>>) target(%dma_start3A_42 : memref<128x128xf32, #tpu.memory_space<hbm>>) target_semaphore(%run_scoped3A : memref<!tpu.dma_semaphore, #tpu.memory_space<semaphore_mem>>)
      %dma_wait3A = arith.constant 0 : i32
      %dma_wait3A_43 = tpu.memref_slice %arg5[%arg0, %add3A_29, %dma_wait3A] : memref<2x10240x128xf32, #tpu.memory_space<hbm>> -> memref<1x128x128xf32, #tpu.memory_space<hbm>>
      %dma_wait3A_44 = tpu.memref_squeeze %dma_wait3A_43 : memref<1x128x128xf32, #tpu.memory_space<hbm>> -> memref<128x128xf32, #tpu.memory_space<hbm>>
      %dma_wait3A_45 = arith.constant 0 : i32
      %dma_wait3A_46 = tpu.memref_slice %arg5[%arg0, %add3A_29, %dma_wait3A_45] : memref<2x10240x128xf32, #tpu.memory_space<hbm>> -> memref<1x128x128xf32, #tpu.memory_space<hbm>>
      %dma_wait3A_47 = tpu.memref_squeeze %dma_wait3A_46 : memref<1x128x128xf32, #tpu.memory_space<hbm>> -> memref<128x128xf32, #tpu.memory_space<hbm>>
      tpu.wait_dma2 semaphore(%run_scoped3A : memref<!tpu.dma_semaphore, #tpu.memory_space<semaphore_mem>>) src(%arg8 : memref<128x128xf32, #tpu.memory_space<vmem>>) dst(%dma_wait3A_47 : memref<128x128xf32, #tpu.memory_space<hbm>>)
      tpu.yield
    }) : () -> ()
    %add3A_30 = arith.constant 128 : i32
    %add3A_31 = arith.addi %mul3A_6, %add3A_30 : i32
    "tpu.region"() ({
      %run_scoped3A = tpu.sem_alloc : memref<!tpu.dma_semaphore, #tpu.memory_space<semaphore_mem>>
      %dma_start3A = arith.constant 0 : i32
      %dma_start3A_38 = tpu.memref_slice %arg10[%add3A_31, %dma_start3A] : memref<10240x128xf32, #tpu.memory_space<vmem_shared>> -> memref<128x128xf32, #tpu.memory_space<vmem_shared>>
      %dma_start3A_39 = arith.constant 0 : i32
      %dma_start3A_40 = tpu.memref_slice %arg10[%add3A_31, %dma_start3A_39] : memref<10240x128xf32, #tpu.memory_space<vmem_shared>> -> memref<128x128xf32, #tpu.memory_space<vmem_shared>>
      tpu.enqueue_dma source(%dma_start3A_40 : memref<128x128xf32, #tpu.memory_space<vmem_shared>>) target(%arg8 : memref<128x128xf32, #tpu.memory_space<vmem>>) target_semaphore(%run_scoped3A : memref<!tpu.dma_semaphore, #tpu.memory_space<semaphore_mem>>)
      %dma_wait3A = arith.constant 0 : i32
      %dma_wait3A_41 = tpu.memref_slice %arg10[%add3A_31, %dma_wait3A] : memref<10240x128xf32, #tpu.memory_space<vmem_shared>> -> memref<128x128xf32, #tpu.memory_space<vmem_shared>>
      %dma_wait3A_42 = arith.constant 0 : i32
      %dma_wait3A_43 = tpu.memref_slice %arg10[%add3A_31, %dma_wait3A_42] : memref<10240x128xf32, #tpu.memory_space<vmem_shared>> -> memref<128x128xf32, #tpu.memory_space<vmem_shared>>
      tpu.wait_dma2 semaphore(%run_scoped3A : memref<!tpu.dma_semaphore, #tpu.memory_space<semaphore_mem>>) src(%dma_wait3A_43 : memref<128x128xf32, #tpu.memory_space<vmem_shared>>) dst(%arg8 : memref<128x128xf32, #tpu.memory_space<vmem>>)
      tpu.yield
    }) : () -> ()
    "tpu.region"() ({
      %run_scoped3A = tpu.sem_alloc : memref<!tpu.dma_semaphore, #tpu.memory_space<semaphore_mem>>
      %dma_start3A = arith.constant 0 : i32
      %dma_start3A_38 = tpu.memref_slice %arg5[%arg0, %add3A_31, %dma_start3A] : memref<2x10240x128xf32, #tpu.memory_space<hbm>> -> memref<1x128x128xf32, #tpu.memory_space<hbm>>
      %dma_start3A_39 = tpu.memref_squeeze %dma_start3A_38 : memref<1x128x128xf32, #tpu.memory_space<hbm>> -> memref<128x128xf32, #tpu.memory_space<hbm>>
      %dma_start3A_40 = arith.constant 0 : i32
      %dma_start3A_41 = tpu.memref_slice %arg5[%arg0, %add3A_31, %dma_start3A_40] : memref<2x10240x128xf32, #tpu.memory_space<hbm>> -> memref<1x128x128xf32, #tpu.memory_space<hbm>>
      %dma_start3A_42 = tpu.memref_squeeze %dma_start3A_41 : memref<1x128x128xf32, #tpu.memory_space<hbm>> -> memref<128x128xf32, #tpu.memory_space<hbm>>
      tpu.enqueue_dma source(%arg8 : memref<128x128xf32, #tpu.memory_space<vmem>>) target(%dma_start3A_42 : memref<128x128xf32, #tpu.memory_space<hbm>>) target_semaphore(%run_scoped3A : memref<!tpu.dma_semaphore, #tpu.memory_space<semaphore_mem>>)
      %dma_wait3A = arith.constant 0 : i32
      %dma_wait3A_43 = tpu.memref_slice %arg5[%arg0, %add3A_31, %dma_wait3A] : memref<2x10240x128xf32, #tpu.memory_space<hbm>> -> memref<1x128x128xf32, #tpu.memory_space<hbm>>
      %dma_wait3A_44 = tpu.memref_squeeze %dma_wait3A_43 : memref<1x128x128xf32, #tpu.memory_space<hbm>> -> memref<128x128xf32, #tpu.memory_space<hbm>>
      %dma_wait3A_45 = arith.constant 0 : i32
      %dma_wait3A_46 = tpu.memref_slice %arg5[%arg0, %add3A_31, %dma_wait3A_45] : memref<2x10240x128xf32, #tpu.memory_space<hbm>> -> memref<1x128x128xf32, #tpu.memory_space<hbm>>
      %dma_wait3A_47 = tpu.memref_squeeze %dma_wait3A_46 : memref<1x128x128xf32, #tpu.memory_space<hbm>> -> memref<128x128xf32, #tpu.memory_space<hbm>>
      tpu.wait_dma2 semaphore(%run_scoped3A : memref<!tpu.dma_semaphore, #tpu.memory_space<semaphore_mem>>) src(%arg8 : memref<128x128xf32, #tpu.memory_space<vmem>>) dst(%dma_wait3A_47 : memref<128x128xf32, #tpu.memory_space<hbm>>)
      tpu.yield
    }) : () -> ()
    %add3A_32 = arith.constant 256 : i32
    %add3A_33 = arith.addi %mul3A_6, %add3A_32 : i32
    "tpu.region"() ({
      %run_scoped3A = tpu.sem_alloc : memref<!tpu.dma_semaphore, #tpu.memory_space<semaphore_mem>>
      %dma_start3A = arith.constant 0 : i32
      %dma_start3A_38 = tpu.memref_slice %arg10[%add3A_33, %dma_start3A] : memref<10240x128xf32, #tpu.memory_space<vmem_shared>> -> memref<128x128xf32, #tpu.memory_space<vmem_shared>>
      %dma_start3A_39 = arith.constant 0 : i32
      %dma_start3A_40 = tpu.memref_slice %arg10[%add3A_33, %dma_start3A_39] : memref<10240x128xf32, #tpu.memory_space<vmem_shared>> -> memref<128x128xf32, #tpu.memory_space<vmem_shared>>
      tpu.enqueue_dma source(%dma_start3A_40 : memref<128x128xf32, #tpu.memory_space<vmem_shared>>) target(%arg8 : memref<128x128xf32, #tpu.memory_space<vmem>>) target_semaphore(%run_scoped3A : memref<!tpu.dma_semaphore, #tpu.memory_space<semaphore_mem>>)
      %dma_wait3A = arith.constant 0 : i32
      %dma_wait3A_41 = tpu.memref_slice %arg10[%add3A_33, %dma_wait3A] : memref<10240x128xf32, #tpu.memory_space<vmem_shared>> -> memref<128x128xf32, #tpu.memory_space<vmem_shared>>
      %dma_wait3A_42 = arith.constant 0 : i32
      %dma_wait3A_43 = tpu.memref_slice %arg10[%add3A_33, %dma_wait3A_42] : memref<10240x128xf32, #tpu.memory_space<vmem_shared>> -> memref<128x128xf32, #tpu.memory_space<vmem_shared>>
      tpu.wait_dma2 semaphore(%run_scoped3A : memref<!tpu.dma_semaphore, #tpu.memory_space<semaphore_mem>>) src(%dma_wait3A_43 : memref<128x128xf32, #tpu.memory_space<vmem_shared>>) dst(%arg8 : memref<128x128xf32, #tpu.memory_space<vmem>>)
      tpu.yield
    }) : () -> ()
    "tpu.region"() ({
      %run_scoped3A = tpu.sem_alloc : memref<!tpu.dma_semaphore, #tpu.memory_space<semaphore_mem>>
      %dma_start3A = arith.constant 0 : i32
      %dma_start3A_38 = tpu.memref_slice %arg5[%arg0, %add3A_33, %dma_start3A] : memref<2x10240x128xf32, #tpu.memory_space<hbm>> -> memref<1x128x128xf32, #tpu.memory_space<hbm>>
      %dma_start3A_39 = tpu.memref_squeeze %dma_start3A_38 : memref<1x128x128xf32, #tpu.memory_space<hbm>> -> memref<128x128xf32, #tpu.memory_space<hbm>>
      %dma_start3A_40 = arith.constant 0 : i32
      %dma_start3A_41 = tpu.memref_slice %arg5[%arg0, %add3A_33, %dma_start3A_40] : memref<2x10240x128xf32, #tpu.memory_space<hbm>> -> memref<1x128x128xf32, #tpu.memory_space<hbm>>
      %dma_start3A_42 = tpu.memref_squeeze %dma_start3A_41 : memref<1x128x128xf32, #tpu.memory_space<hbm>> -> memref<128x128xf32, #tpu.memory_space<hbm>>
      tpu.enqueue_dma source(%arg8 : memref<128x128xf32, #tpu.memory_space<vmem>>) target(%dma_start3A_42 : memref<128x128xf32, #tpu.memory_space<hbm>>) target_semaphore(%run_scoped3A : memref<!tpu.dma_semaphore, #tpu.memory_space<semaphore_mem>>)
      %dma_wait3A = arith.constant 0 : i32
      %dma_wait3A_43 = tpu.memref_slice %arg5[%arg0, %add3A_33, %dma_wait3A] : memref<2x10240x128xf32, #tpu.memory_space<hbm>> -> memref<1x128x128xf32, #tpu.memory_space<hbm>>
      %dma_wait3A_44 = tpu.memref_squeeze %dma_wait3A_43 : memref<1x128x128xf32, #tpu.memory_space<hbm>> -> memref<128x128xf32, #tpu.memory_space<hbm>>
      %dma_wait3A_45 = arith.constant 0 : i32
      %dma_wait3A_46 = tpu.memref_slice %arg5[%arg0, %add3A_33, %dma_wait3A_45] : memref<2x10240x128xf32, #tpu.memory_space<hbm>> -> memref<1x128x128xf32, #tpu.memory_space<hbm>>
      %dma_wait3A_47 = tpu.memref_squeeze %dma_wait3A_46 : memref<1x128x128xf32, #tpu.memory_space<hbm>> -> memref<128x128xf32, #tpu.memory_space<hbm>>
      tpu.wait_dma2 semaphore(%run_scoped3A : memref<!tpu.dma_semaphore, #tpu.memory_space<semaphore_mem>>) src(%arg8 : memref<128x128xf32, #tpu.memory_space<vmem>>) dst(%dma_wait3A_47 : memref<128x128xf32, #tpu.memory_space<hbm>>)
      tpu.yield
    }) : () -> ()
    %add3A_34 = arith.constant 384 : i32
    %add3A_35 = arith.addi %mul3A_6, %add3A_34 : i32
    "tpu.region"() ({
      %run_scoped3A = tpu.sem_alloc : memref<!tpu.dma_semaphore, #tpu.memory_space<semaphore_mem>>
      %dma_start3A = arith.constant 0 : i32
      %dma_start3A_38 = tpu.memref_slice %arg10[%add3A_35, %dma_start3A] : memref<10240x128xf32, #tpu.memory_space<vmem_shared>> -> memref<128x128xf32, #tpu.memory_space<vmem_shared>>
      %dma_start3A_39 = arith.constant 0 : i32
      %dma_start3A_40 = tpu.memref_slice %arg10[%add3A_35, %dma_start3A_39] : memref<10240x128xf32, #tpu.memory_space<vmem_shared>> -> memref<128x128xf32, #tpu.memory_space<vmem_shared>>
      tpu.enqueue_dma source(%dma_start3A_40 : memref<128x128xf32, #tpu.memory_space<vmem_shared>>) target(%arg8 : memref<128x128xf32, #tpu.memory_space<vmem>>) target_semaphore(%run_scoped3A : memref<!tpu.dma_semaphore, #tpu.memory_space<semaphore_mem>>)
      %dma_wait3A = arith.constant 0 : i32
      %dma_wait3A_41 = tpu.memref_slice %arg10[%add3A_35, %dma_wait3A] : memref<10240x128xf32, #tpu.memory_space<vmem_shared>> -> memref<128x128xf32, #tpu.memory_space<vmem_shared>>
      %dma_wait3A_42 = arith.constant 0 : i32
      %dma_wait3A_43 = tpu.memref_slice %arg10[%add3A_35, %dma_wait3A_42] : memref<10240x128xf32, #tpu.memory_space<vmem_shared>> -> memref<128x128xf32, #tpu.memory_space<vmem_shared>>
      tpu.wait_dma2 semaphore(%run_scoped3A : memref<!tpu.dma_semaphore, #tpu.memory_space<semaphore_mem>>) src(%dma_wait3A_43 : memref<128x128xf32, #tpu.memory_space<vmem_shared>>) dst(%arg8 : memref<128x128xf32, #tpu.memory_space<vmem>>)
      tpu.yield
    }) : () -> ()
    "tpu.region"() ({
      %run_scoped3A = tpu.sem_alloc : memref<!tpu.dma_semaphore, #tpu.memory_space<semaphore_mem>>
      %dma_start3A = arith.constant 0 : i32
      %dma_start3A_38 = tpu.memref_slice %arg5[%arg0, %add3A_35, %dma_start3A] : memref<2x10240x128xf32, #tpu.memory_space<hbm>> -> memref<1x128x128xf32, #tpu.memory_space<hbm>>
      %dma_start3A_39 = tpu.memref_squeeze %dma_start3A_38 : memref<1x128x128xf32, #tpu.memory_space<hbm>> -> memref<128x128xf32, #tpu.memory_space<hbm>>
      %dma_start3A_40 = arith.constant 0 : i32
      %dma_start3A_41 = tpu.memref_slice %arg5[%arg0, %add3A_35, %dma_start3A_40] : memref<2x10240x128xf32, #tpu.memory_space<hbm>> -> memref<1x128x128xf32, #tpu.memory_space<hbm>>
      %dma_start3A_42 = tpu.memref_squeeze %dma_start3A_41 : memref<1x128x128xf32, #tpu.memory_space<hbm>> -> memref<128x128xf32, #tpu.memory_space<hbm>>
      tpu.enqueue_dma source(%arg8 : memref<128x128xf32, #tpu.memory_space<vmem>>) target(%dma_start3A_42 : memref<128x128xf32, #tpu.memory_space<hbm>>) target_semaphore(%run_scoped3A : memref<!tpu.dma_semaphore, #tpu.memory_space<semaphore_mem>>)
      %dma_wait3A = arith.constant 0 : i32
      %dma_wait3A_43 = tpu.memref_slice %arg5[%arg0, %add3A_35, %dma_wait3A] : memref<2x10240x128xf32, #tpu.memory_space<hbm>> -> memref<1x128x128xf32, #tpu.memory_space<hbm>>
      %dma_wait3A_44 = tpu.memref_squeeze %dma_wait3A_43 : memref<1x128x128xf32, #tpu.memory_space<hbm>> -> memref<128x128xf32, #tpu.memory_space<hbm>>
      %dma_wait3A_45 = arith.constant 0 : i32
      %dma_wait3A_46 = tpu.memref_slice %arg5[%arg0, %add3A_35, %dma_wait3A_45] : memref<2x10240x128xf32, #tpu.memory_space<hbm>> -> memref<1x128x128xf32, #tpu.memory_space<hbm>>
      %dma_wait3A_47 = tpu.memref_squeeze %dma_wait3A_46 : memref<1x128x128xf32, #tpu.memory_space<hbm>> -> memref<128x128xf32, #tpu.memory_space<hbm>>
      tpu.wait_dma2 semaphore(%run_scoped3A : memref<!tpu.dma_semaphore, #tpu.memory_space<semaphore_mem>>) src(%arg8 : memref<128x128xf32, #tpu.memory_space<vmem>>) dst(%dma_wait3A_47 : memref<128x128xf32, #tpu.memory_space<hbm>>)
      tpu.yield
    }) : () -> ()
    %add3A_36 = arith.constant 512 : i32
    %add3A_37 = arith.addi %mul3A_6, %add3A_36 : i32
    "tpu.region"() ({
      %run_scoped3A = tpu.sem_alloc : memref<!tpu.dma_semaphore, #tpu.memory_space<semaphore_mem>>
      %dma_start3A = arith.constant 0 : i32
      %dma_start3A_38 = tpu.memref_slice %arg10[%add3A_37, %dma_start3A] : memref<10240x128xf32, #tpu.memory_space<vmem_shared>> -> memref<128x128xf32, #tpu.memory_space<vmem_shared>>
      %dma_start3A_39 = arith.constant 0 : i32
      %dma_start3A_40 = tpu.memref_slice %arg10[%add3A_37, %dma_start3A_39] : memref<10240x128xf32, #tpu.memory_space<vmem_shared>> -> memref<128x128xf32, #tpu.memory_space<vmem_shared>>
      tpu.enqueue_dma source(%dma_start3A_40 : memref<128x128xf32, #tpu.memory_space<vmem_shared>>) target(%arg8 : memref<128x128xf32, #tpu.memory_space<vmem>>) target_semaphore(%run_scoped3A : memref<!tpu.dma_semaphore, #tpu.memory_space<semaphore_mem>>)
      %dma_wait3A = arith.constant 0 : i32
      %dma_wait3A_41 = tpu.memref_slice %arg10[%add3A_37, %dma_wait3A] : memref<10240x128xf32, #tpu.memory_space<vmem_shared>> -> memref<128x128xf32, #tpu.memory_space<vmem_shared>>
      %dma_wait3A_42 = arith.constant 0 : i32
      %dma_wait3A_43 = tpu.memref_slice %arg10[%add3A_37, %dma_wait3A_42] : memref<10240x128xf32, #tpu.memory_space<vmem_shared>> -> memref<128x128xf32, #tpu.memory_space<vmem_shared>>
      tpu.wait_dma2 semaphore(%run_scoped3A : memref<!tpu.dma_semaphore, #tpu.memory_space<semaphore_mem>>) src(%dma_wait3A_43 : memref<128x128xf32, #tpu.memory_space<vmem_shared>>) dst(%arg8 : memref<128x128xf32, #tpu.memory_space<vmem>>)
      tpu.yield
    }) : () -> ()
    "tpu.region"() ({
      %run_scoped3A = tpu.sem_alloc : memref<!tpu.dma_semaphore, #tpu.memory_space<semaphore_mem>>
      %dma_start3A = arith.constant 0 : i32
      %dma_start3A_38 = tpu.memref_slice %arg5[%arg0, %add3A_37, %dma_start3A] : memref<2x10240x128xf32, #tpu.memory_space<hbm>> -> memref<1x128x128xf32, #tpu.memory_space<hbm>>
      %dma_start3A_39 = tpu.memref_squeeze %dma_start3A_38 : memref<1x128x128xf32, #tpu.memory_space<hbm>> -> memref<128x128xf32, #tpu.memory_space<hbm>>
      %dma_start3A_40 = arith.constant 0 : i32
      %dma_start3A_41 = tpu.memref_slice %arg5[%arg0, %add3A_37, %dma_start3A_40] : memref<2x10240x128xf32, #tpu.memory_space<hbm>> -> memref<1x128x128xf32, #tpu.memory_space<hbm>>
      %dma_start3A_42 = tpu.memref_squeeze %dma_start3A_41 : memref<1x128x128xf32, #tpu.memory_space<hbm>> -> memref<128x128xf32, #tpu.memory_space<hbm>>
      tpu.enqueue_dma source(%arg8 : memref<128x128xf32, #tpu.memory_space<vmem>>) target(%dma_start3A_42 : memref<128x128xf32, #tpu.memory_space<hbm>>) target_semaphore(%run_scoped3A : memref<!tpu.dma_semaphore, #tpu.memory_space<semaphore_mem>>)
      %dma_wait3A = arith.constant 0 : i32
      %dma_wait3A_43 = tpu.memref_slice %arg5[%arg0, %add3A_37, %dma_wait3A] : memref<2x10240x128xf32, #tpu.memory_space<hbm>> -> memref<1x128x128xf32, #tpu.memory_space<hbm>>
      %dma_wait3A_44 = tpu.memref_squeeze %dma_wait3A_43 : memref<1x128x128xf32, #tpu.memory_space<hbm>> -> memref<128x128xf32, #tpu.memory_space<hbm>>
      %dma_wait3A_45 = arith.constant 0 : i32
      %dma_wait3A_46 = tpu.memref_slice %arg5[%arg0, %add3A_37, %dma_wait3A_45] : memref<2x10240x128xf32, #tpu.memory_space<hbm>> -> memref<1x128x128xf32, #tpu.memory_space<hbm>>
      %dma_wait3A_47 = tpu.memref_squeeze %dma_wait3A_46 : memref<1x128x128xf32, #tpu.memory_space<hbm>> -> memref<128x128xf32, #tpu.memory_space<hbm>>
      tpu.wait_dma2 semaphore(%run_scoped3A : memref<!tpu.dma_semaphore, #tpu.memory_space<semaphore_mem>>) src(%arg8 : memref<128x128xf32, #tpu.memory_space<vmem>>) dst(%dma_wait3A_47 : memref<128x128xf32, #tpu.memory_space<hbm>>)
      tpu.yield
    }) : () -> ()
    return
  }
}

#map = affine_map<(d0, d1) -> (0, 0)>
#map1 = affine_map<(d0, d1) -> (0)>
#map2 = affine_map<(d0, d1) -> (0, 0, 0)>
module attributes {stable_mosaic.version = 14 : i64} {
  func.func @kfn(%arg0: i32, %arg1: i32, %arg2: memref<10000x128xf32, #tpu.memory_space<hbm>>, %arg3: memref<323584xi32, #tpu.memory_space<hbm>>, %arg4: memref<323584xi32, #tpu.memory_space<hbm>>, %arg5: memref<2x10240x128xf32, #tpu.memory_space<hbm>>, %arg6: memref<128xi32, #tpu.memory_space<vmem>>, %arg7: memref<128xi32, #tpu.memory_space<vmem>>, %arg8: memref<128x128xf32, #tpu.memory_space<vmem>>, %arg9: memref<128x128xf32, #tpu.memory_space<vmem>>, %arg10: memref<10240x128xf32, #tpu.memory_space<vmem_shared>>, %arg11: memref<!tpu.dma_semaphore, #tpu.memory_space<semaphore_mem>>) attributes {dimension_semantics = [#tpu.dimension_semantics<core_parallel>, #tpu.dimension_semantics<subcore_parallel>], iteration_bounds = array<i64: 2, 16>, scalar_prefetch = 0 : i64, scratch_operands = 6 : i64, tpu.core_type = #tpu.core_type<sc_vector_subcore>, window_params = [{transform_indices = #map}, {transform_indices = #map1}, {transform_indices = #map1}, {transform_indices = #map2}]} {
    %mul3A = arith.constant 2 : i32
    %mul3A_0 = arith.muli %arg1, %mul3A : i32
    %add3A = arith.addi %mul3A_0, %arg0 : i32
    %mul3A_1 = arith.constant 79 : i32
    %mul3A_2 = arith.muli %add3A, %mul3A_1 : i32
    %mul3A_3 = arith.constant 128 : i32
    %mul3A_4 = arith.muli %mul3A_2, %mul3A_3 : i32
    %mul3A_5 = arith.constant 640 : i32
    %mul3A_6 = arith.muli %arg1, %mul3A_5 : i32
    %broadcast_in_dim3A = arith.constant 0.000000e+00 : f32
    %broadcast_in_dim3A_7 = vector.broadcast %broadcast_in_dim3A : f32 to vector<16xf32>
    %scan3A = arith.constant 0 : i32
    %scan3A_8 = arith.constant 128 : i32
    %scan3A_9 = arith.addi %scan3A, %scan3A_8 : i32
    %scan3A_10 = arith.constant 1 : i32
    scf.for %scan3A_45 = %scan3A to %scan3A_9 step %scan3A_10  : i32 {
      %mul3A_46 = arith.constant 1 : i32
      %mul3A_47 = arith.muli %scan3A_45, %mul3A_46 : i32
      %add3A_48 = arith.constant 0 : i32
      %add3A_49 = arith.addi %add3A_48, %mul3A_47 : i32
      %swap3A = arith.index_cast %add3A_49 : i32 to index
      %swap3A_50 = arith.constant 0 : index
      %swap3A_51 = tpu.vector_load %arg8[%swap3A, %swap3A_50] {strides = array<i32>} : memref<128x128xf32, #tpu.memory_space<vmem>>, vector<1x16xf32>,
      %swap3A_52 = vector.shape_cast %swap3A_51 : vector<1x16xf32> to vector<16xf32>
      %swap3A_53 = vector.shape_cast %broadcast_in_dim3A_7 : vector<16xf32> to vector<1x16xf32>
      tpu.vector_store %arg8[%swap3A, %swap3A_50], %swap3A_53 {strides = array<i32>} : memref<128x128xf32, #tpu.memory_space<vmem>>, vector<1x16xf32>,
      %swap3A_54 = arith.index_cast %add3A_49 : i32 to index
      %swap3A_55 = arith.constant 16 : index
      %swap3A_56 = tpu.vector_load %arg8[%swap3A_54, %swap3A_55] {strides = array<i32>} : memref<128x128xf32, #tpu.memory_space<vmem>>, vector<1x16xf32>,
      %swap3A_57 = vector.shape_cast %swap3A_56 : vector<1x16xf32> to vector<16xf32>
      %swap3A_58 = vector.shape_cast %broadcast_in_dim3A_7 : vector<16xf32> to vector<1x16xf32>
      tpu.vector_store %arg8[%swap3A_54, %swap3A_55], %swap3A_58 {strides = array<i32>} : memref<128x128xf32, #tpu.memory_space<vmem>>, vector<1x16xf32>,
      %swap3A_59 = arith.index_cast %add3A_49 : i32 to index
      %swap3A_60 = arith.constant 32 : index
      %swap3A_61 = tpu.vector_load %arg8[%swap3A_59, %swap3A_60] {strides = array<i32>} : memref<128x128xf32, #tpu.memory_space<vmem>>, vector<1x16xf32>,
      %swap3A_62 = vector.shape_cast %swap3A_61 : vector<1x16xf32> to vector<16xf32>
      %swap3A_63 = vector.shape_cast %broadcast_in_dim3A_7 : vector<16xf32> to vector<1x16xf32>
      tpu.vector_store %arg8[%swap3A_59, %swap3A_60], %swap3A_63 {strides = array<i32>} : memref<128x128xf32, #tpu.memory_space<vmem>>, vector<1x16xf32>,
      %swap3A_64 = arith.index_cast %add3A_49 : i32 to index
      %swap3A_65 = arith.constant 48 : index
      %swap3A_66 = tpu.vector_load %arg8[%swap3A_64, %swap3A_65] {strides = array<i32>} : memref<128x128xf32, #tpu.memory_space<vmem>>, vector<1x16xf32>,
      %swap3A_67 = vector.shape_cast %swap3A_66 : vector<1x16xf32> to vector<16xf32>
      %swap3A_68 = vector.shape_cast %broadcast_in_dim3A_7 : vector<16xf32> to vector<1x16xf32>
      tpu.vector_store %arg8[%swap3A_64, %swap3A_65], %swap3A_68 {strides = array<i32>} : memref<128x128xf32, #tpu.memory_space<vmem>>, vector<1x16xf32>,
      %swap3A_69 = arith.index_cast %add3A_49 : i32 to index
      %swap3A_70 = arith.constant 64 : index
      %swap3A_71 = tpu.vector_load %arg8[%swap3A_69, %swap3A_70] {strides = array<i32>} : memref<128x128xf32, #tpu.memory_space<vmem>>, vector<1x16xf32>,
      %swap3A_72 = vector.shape_cast %swap3A_71 : vector<1x16xf32> to vector<16xf32>
      %swap3A_73 = vector.shape_cast %broadcast_in_dim3A_7 : vector<16xf32> to vector<1x16xf32>
      tpu.vector_store %arg8[%swap3A_69, %swap3A_70], %swap3A_73 {strides = array<i32>} : memref<128x128xf32, #tpu.memory_space<vmem>>, vector<1x16xf32>,
      %swap3A_74 = arith.index_cast %add3A_49 : i32 to index
      %swap3A_75 = arith.constant 80 : index
      %swap3A_76 = tpu.vector_load %arg8[%swap3A_74, %swap3A_75] {strides = array<i32>} : memref<128x128xf32, #tpu.memory_space<vmem>>, vector<1x16xf32>,
      %swap3A_77 = vector.shape_cast %swap3A_76 : vector<1x16xf32> to vector<16xf32>
      %swap3A_78 = vector.shape_cast %broadcast_in_dim3A_7 : vector<16xf32> to vector<1x16xf32>
      tpu.vector_store %arg8[%swap3A_74, %swap3A_75], %swap3A_78 {strides = array<i32>} : memref<128x128xf32, #tpu.memory_space<vmem>>, vector<1x16xf32>,
      %swap3A_79 = arith.index_cast %add3A_49 : i32 to index
      %swap3A_80 = arith.constant 96 : index
      %swap3A_81 = tpu.vector_load %arg8[%swap3A_79, %swap3A_80] {strides = array<i32>} : memref<128x128xf32, #tpu.memory_space<vmem>>, vector<1x16xf32>,
      %swap3A_82 = vector.shape_cast %swap3A_81 : vector<1x16xf32> to vector<16xf32>
      %swap3A_83 = vector.shape_cast %broadcast_in_dim3A_7 : vector<16xf32> to vector<1x16xf32>
      tpu.vector_store %arg8[%swap3A_79, %swap3A_80], %swap3A_83 {strides = array<i32>} : memref<128x128xf32, #tpu.memory_space<vmem>>, vector<1x16xf32>,
      %swap3A_84 = arith.index_cast %add3A_49 : i32 to index
      %swap3A_85 = arith.constant 112 : index
      %swap3A_86 = tpu.vector_load %arg8[%swap3A_84, %swap3A_85] {strides = array<i32>} : memref<128x128xf32, #tpu.memory_space<vmem>>, vector<1x16xf32>,
      %swap3A_87 = vector.shape_cast %swap3A_86 : vector<1x16xf32> to vector<16xf32>
      %swap3A_88 = vector.shape_cast %broadcast_in_dim3A_7 : vector<16xf32> to vector<1x16xf32>
      tpu.vector_store %arg8[%swap3A_84, %swap3A_85], %swap3A_88 {strides = array<i32>} : memref<128x128xf32, #tpu.memory_space<vmem>>, vector<1x16xf32>,
    }
    %scan3A_11 = arith.constant 128 : i32
    %add3A_12 = arith.constant 0 : i32
    %add3A_13 = arith.addi %mul3A_6, %add3A_12 : i32
    "tpu.region"() ({
      %run_scoped3A = tpu.sem_alloc : memref<!tpu.dma_semaphore, #tpu.memory_space<semaphore_mem>>
      %dma_start3A = arith.constant 0 : i32
      %dma_start3A_45 = tpu.memref_slice %arg10[%add3A_13, %dma_start3A] : memref<10240x128xf32, #tpu.memory_space<vmem_shared>> -> memref<128x128xf32, #tpu.memory_space<vmem_shared>>
      %dma_start3A_46 = arith.constant 0 : i32
      %dma_start3A_47 = tpu.memref_slice %arg10[%add3A_13, %dma_start3A_46] : memref<10240x128xf32, #tpu.memory_space<vmem_shared>> -> memref<128x128xf32, #tpu.memory_space<vmem_shared>>
      tpu.enqueue_dma source(%arg8 : memref<128x128xf32, #tpu.memory_space<vmem>>) target(%dma_start3A_47 : memref<128x128xf32, #tpu.memory_space<vmem_shared>>) target_semaphore(%run_scoped3A : memref<!tpu.dma_semaphore, #tpu.memory_space<semaphore_mem>>)
      %dma_wait3A = arith.constant 0 : i32
      %dma_wait3A_48 = tpu.memref_slice %arg10[%add3A_13, %dma_wait3A] : memref<10240x128xf32, #tpu.memory_space<vmem_shared>> -> memref<128x128xf32, #tpu.memory_space<vmem_shared>>
      %dma_wait3A_49 = arith.constant 0 : i32
      %dma_wait3A_50 = tpu.memref_slice %arg10[%add3A_13, %dma_wait3A_49] : memref<10240x128xf32, #tpu.memory_space<vmem_shared>> -> memref<128x128xf32, #tpu.memory_space<vmem_shared>>
      tpu.wait_dma2 semaphore(%run_scoped3A : memref<!tpu.dma_semaphore, #tpu.memory_space<semaphore_mem>>) src(%arg8 : memref<128x128xf32, #tpu.memory_space<vmem>>) dst(%dma_wait3A_50 : memref<128x128xf32, #tpu.memory_space<vmem_shared>>)
      tpu.yield
    }) : () -> ()
    %add3A_14 = arith.constant 128 : i32
    %add3A_15 = arith.addi %mul3A_6, %add3A_14 : i32
    "tpu.region"() ({
      %run_scoped3A = tpu.sem_alloc : memref<!tpu.dma_semaphore, #tpu.memory_space<semaphore_mem>>
      %dma_start3A = arith.constant 0 : i32
      %dma_start3A_45 = tpu.memref_slice %arg10[%add3A_15, %dma_start3A] : memref<10240x128xf32, #tpu.memory_space<vmem_shared>> -> memref<128x128xf32, #tpu.memory_space<vmem_shared>>
      %dma_start3A_46 = arith.constant 0 : i32
      %dma_start3A_47 = tpu.memref_slice %arg10[%add3A_15, %dma_start3A_46] : memref<10240x128xf32, #tpu.memory_space<vmem_shared>> -> memref<128x128xf32, #tpu.memory_space<vmem_shared>>
      tpu.enqueue_dma source(%arg8 : memref<128x128xf32, #tpu.memory_space<vmem>>) target(%dma_start3A_47 : memref<128x128xf32, #tpu.memory_space<vmem_shared>>) target_semaphore(%run_scoped3A : memref<!tpu.dma_semaphore, #tpu.memory_space<semaphore_mem>>)
      %dma_wait3A = arith.constant 0 : i32
      %dma_wait3A_48 = tpu.memref_slice %arg10[%add3A_15, %dma_wait3A] : memref<10240x128xf32, #tpu.memory_space<vmem_shared>> -> memref<128x128xf32, #tpu.memory_space<vmem_shared>>
      %dma_wait3A_49 = arith.constant 0 : i32
      %dma_wait3A_50 = tpu.memref_slice %arg10[%add3A_15, %dma_wait3A_49] : memref<10240x128xf32, #tpu.memory_space<vmem_shared>> -> memref<128x128xf32, #tpu.memory_space<vmem_shared>>
      tpu.wait_dma2 semaphore(%run_scoped3A : memref<!tpu.dma_semaphore, #tpu.memory_space<semaphore_mem>>) src(%arg8 : memref<128x128xf32, #tpu.memory_space<vmem>>) dst(%dma_wait3A_50 : memref<128x128xf32, #tpu.memory_space<vmem_shared>>)
      tpu.yield
    }) : () -> ()
    %add3A_16 = arith.constant 256 : i32
    %add3A_17 = arith.addi %mul3A_6, %add3A_16 : i32
    "tpu.region"() ({
      %run_scoped3A = tpu.sem_alloc : memref<!tpu.dma_semaphore, #tpu.memory_space<semaphore_mem>>
      %dma_start3A = arith.constant 0 : i32
      %dma_start3A_45 = tpu.memref_slice %arg10[%add3A_17, %dma_start3A] : memref<10240x128xf32, #tpu.memory_space<vmem_shared>> -> memref<128x128xf32, #tpu.memory_space<vmem_shared>>
      %dma_start3A_46 = arith.constant 0 : i32
      %dma_start3A_47 = tpu.memref_slice %arg10[%add3A_17, %dma_start3A_46] : memref<10240x128xf32, #tpu.memory_space<vmem_shared>> -> memref<128x128xf32, #tpu.memory_space<vmem_shared>>
      tpu.enqueue_dma source(%arg8 : memref<128x128xf32, #tpu.memory_space<vmem>>) target(%dma_start3A_47 : memref<128x128xf32, #tpu.memory_space<vmem_shared>>) target_semaphore(%run_scoped3A : memref<!tpu.dma_semaphore, #tpu.memory_space<semaphore_mem>>)
      %dma_wait3A = arith.constant 0 : i32
      %dma_wait3A_48 = tpu.memref_slice %arg10[%add3A_17, %dma_wait3A] : memref<10240x128xf32, #tpu.memory_space<vmem_shared>> -> memref<128x128xf32, #tpu.memory_space<vmem_shared>>
      %dma_wait3A_49 = arith.constant 0 : i32
      %dma_wait3A_50 = tpu.memref_slice %arg10[%add3A_17, %dma_wait3A_49] : memref<10240x128xf32, #tpu.memory_space<vmem_shared>> -> memref<128x128xf32, #tpu.memory_space<vmem_shared>>
      tpu.wait_dma2 semaphore(%run_scoped3A : memref<!tpu.dma_semaphore, #tpu.memory_space<semaphore_mem>>) src(%arg8 : memref<128x128xf32, #tpu.memory_space<vmem>>) dst(%dma_wait3A_50 : memref<128x128xf32, #tpu.memory_space<vmem_shared>>)
      tpu.yield
    }) : () -> ()
    %add3A_18 = arith.constant 384 : i32
    %add3A_19 = arith.addi %mul3A_6, %add3A_18 : i32
    "tpu.region"() ({
      %run_scoped3A = tpu.sem_alloc : memref<!tpu.dma_semaphore, #tpu.memory_space<semaphore_mem>>
      %dma_start3A = arith.constant 0 : i32
      %dma_start3A_45 = tpu.memref_slice %arg10[%add3A_19, %dma_start3A] : memref<10240x128xf32, #tpu.memory_space<vmem_shared>> -> memref<128x128xf32, #tpu.memory_space<vmem_shared>>
      %dma_start3A_46 = arith.constant 0 : i32
      %dma_start3A_47 = tpu.memref_slice %arg10[%add3A_19, %dma_start3A_46] : memref<10240x128xf32, #tpu.memory_space<vmem_shared>> -> memref<128x128xf32, #tpu.memory_space<vmem_shared>>
      tpu.enqueue_dma source(%arg8 : memref<128x128xf32, #tpu.memory_space<vmem>>) target(%dma_start3A_47 : memref<128x128xf32, #tpu.memory_space<vmem_shared>>) target_semaphore(%run_scoped3A : memref<!tpu.dma_semaphore, #tpu.memory_space<semaphore_mem>>)
      %dma_wait3A = arith.constant 0 : i32
      %dma_wait3A_48 = tpu.memref_slice %arg10[%add3A_19, %dma_wait3A] : memref<10240x128xf32, #tpu.memory_space<vmem_shared>> -> memref<128x128xf32, #tpu.memory_space<vmem_shared>>
      %dma_wait3A_49 = arith.constant 0 : i32
      %dma_wait3A_50 = tpu.memref_slice %arg10[%add3A_19, %dma_wait3A_49] : memref<10240x128xf32, #tpu.memory_space<vmem_shared>> -> memref<128x128xf32, #tpu.memory_space<vmem_shared>>
      tpu.wait_dma2 semaphore(%run_scoped3A : memref<!tpu.dma_semaphore, #tpu.memory_space<semaphore_mem>>) src(%arg8 : memref<128x128xf32, #tpu.memory_space<vmem>>) dst(%dma_wait3A_50 : memref<128x128xf32, #tpu.memory_space<vmem_shared>>)
      tpu.yield
    }) : () -> ()
    %add3A_20 = arith.constant 512 : i32
    %add3A_21 = arith.addi %mul3A_6, %add3A_20 : i32
    "tpu.region"() ({
      %run_scoped3A = tpu.sem_alloc : memref<!tpu.dma_semaphore, #tpu.memory_space<semaphore_mem>>
      %dma_start3A = arith.constant 0 : i32
      %dma_start3A_45 = tpu.memref_slice %arg10[%add3A_21, %dma_start3A] : memref<10240x128xf32, #tpu.memory_space<vmem_shared>> -> memref<128x128xf32, #tpu.memory_space<vmem_shared>>
      %dma_start3A_46 = arith.constant 0 : i32
      %dma_start3A_47 = tpu.memref_slice %arg10[%add3A_21, %dma_start3A_46] : memref<10240x128xf32, #tpu.memory_space<vmem_shared>> -> memref<128x128xf32, #tpu.memory_space<vmem_shared>>
      tpu.enqueue_dma source(%arg8 : memref<128x128xf32, #tpu.memory_space<vmem>>) target(%dma_start3A_47 : memref<128x128xf32, #tpu.memory_space<vmem_shared>>) target_semaphore(%run_scoped3A : memref<!tpu.dma_semaphore, #tpu.memory_space<semaphore_mem>>)
      %dma_wait3A = arith.constant 0 : i32
      %dma_wait3A_48 = tpu.memref_slice %arg10[%add3A_21, %dma_wait3A] : memref<10240x128xf32, #tpu.memory_space<vmem_shared>> -> memref<128x128xf32, #tpu.memory_space<vmem_shared>>
      %dma_wait3A_49 = arith.constant 0 : i32
      %dma_wait3A_50 = tpu.memref_slice %arg10[%add3A_21, %dma_wait3A_49] : memref<10240x128xf32, #tpu.memory_space<vmem_shared>> -> memref<128x128xf32, #tpu.memory_space<vmem_shared>>
      tpu.wait_dma2 semaphore(%run_scoped3A : memref<!tpu.dma_semaphore, #tpu.memory_space<semaphore_mem>>) src(%arg8 : memref<128x128xf32, #tpu.memory_space<vmem>>) dst(%dma_wait3A_50 : memref<128x128xf32, #tpu.memory_space<vmem_shared>>)
      tpu.yield
    }) : () -> ()
    %broadcast_in_dim3A_22 = arith.constant 1.000000e+00 : f32
    %broadcast_in_dim3A_23 = vector.broadcast %broadcast_in_dim3A_22 : f32 to vector<16xf32>
    %scan3A_24 = arith.constant 0 : i32
    %scan3A_25 = arith.constant 128 : i32
    %scan3A_26 = arith.addi %scan3A_24, %scan3A_25 : i32
    %scan3A_27 = arith.constant 1 : i32
    scf.for %scan3A_45 = %scan3A_24 to %scan3A_26 step %scan3A_27  : i32 {
      %mul3A_46 = arith.constant 1 : i32
      %mul3A_47 = arith.muli %scan3A_45, %mul3A_46 : i32
      %add3A_48 = arith.constant 0 : i32
      %add3A_49 = arith.addi %add3A_48, %mul3A_47 : i32
      %swap3A = arith.index_cast %add3A_49 : i32 to index
      %swap3A_50 = arith.constant 0 : index
      %swap3A_51 = tpu.vector_load %arg9[%swap3A, %swap3A_50] {strides = array<i32>} : memref<128x128xf32, #tpu.memory_space<vmem>>, vector<1x16xf32>,
      %swap3A_52 = vector.shape_cast %swap3A_51 : vector<1x16xf32> to vector<16xf32>
      %swap3A_53 = vector.shape_cast %broadcast_in_dim3A_23 : vector<16xf32> to vector<1x16xf32>
      tpu.vector_store %arg9[%swap3A, %swap3A_50], %swap3A_53 {strides = array<i32>} : memref<128x128xf32, #tpu.memory_space<vmem>>, vector<1x16xf32>,
      %swap3A_54 = arith.index_cast %add3A_49 : i32 to index
      %swap3A_55 = arith.constant 16 : index
      %swap3A_56 = tpu.vector_load %arg9[%swap3A_54, %swap3A_55] {strides = array<i32>} : memref<128x128xf32, #tpu.memory_space<vmem>>, vector<1x16xf32>,
      %swap3A_57 = vector.shape_cast %swap3A_56 : vector<1x16xf32> to vector<16xf32>
      %swap3A_58 = vector.shape_cast %broadcast_in_dim3A_23 : vector<16xf32> to vector<1x16xf32>
      tpu.vector_store %arg9[%swap3A_54, %swap3A_55], %swap3A_58 {strides = array<i32>} : memref<128x128xf32, #tpu.memory_space<vmem>>, vector<1x16xf32>,
      %swap3A_59 = arith.index_cast %add3A_49 : i32 to index
      %swap3A_60 = arith.constant 32 : index
      %swap3A_61 = tpu.vector_load %arg9[%swap3A_59, %swap3A_60] {strides = array<i32>} : memref<128x128xf32, #tpu.memory_space<vmem>>, vector<1x16xf32>,
      %swap3A_62 = vector.shape_cast %swap3A_61 : vector<1x16xf32> to vector<16xf32>
      %swap3A_63 = vector.shape_cast %broadcast_in_dim3A_23 : vector<16xf32> to vector<1x16xf32>
      tpu.vector_store %arg9[%swap3A_59, %swap3A_60], %swap3A_63 {strides = array<i32>} : memref<128x128xf32, #tpu.memory_space<vmem>>, vector<1x16xf32>,
      %swap3A_64 = arith.index_cast %add3A_49 : i32 to index
      %swap3A_65 = arith.constant 48 : index
      %swap3A_66 = tpu.vector_load %arg9[%swap3A_64, %swap3A_65] {strides = array<i32>} : memref<128x128xf32, #tpu.memory_space<vmem>>, vector<1x16xf32>,
      %swap3A_67 = vector.shape_cast %swap3A_66 : vector<1x16xf32> to vector<16xf32>
      %swap3A_68 = vector.shape_cast %broadcast_in_dim3A_23 : vector<16xf32> to vector<1x16xf32>
      tpu.vector_store %arg9[%swap3A_64, %swap3A_65], %swap3A_68 {strides = array<i32>} : memref<128x128xf32, #tpu.memory_space<vmem>>, vector<1x16xf32>,
      %swap3A_69 = arith.index_cast %add3A_49 : i32 to index
      %swap3A_70 = arith.constant 64 : index
      %swap3A_71 = tpu.vector_load %arg9[%swap3A_69, %swap3A_70] {strides = array<i32>} : memref<128x128xf32, #tpu.memory_space<vmem>>, vector<1x16xf32>,
      %swap3A_72 = vector.shape_cast %swap3A_71 : vector<1x16xf32> to vector<16xf32>
      %swap3A_73 = vector.shape_cast %broadcast_in_dim3A_23 : vector<16xf32> to vector<1x16xf32>
      tpu.vector_store %arg9[%swap3A_69, %swap3A_70], %swap3A_73 {strides = array<i32>} : memref<128x128xf32, #tpu.memory_space<vmem>>, vector<1x16xf32>,
      %swap3A_74 = arith.index_cast %add3A_49 : i32 to index
      %swap3A_75 = arith.constant 80 : index
      %swap3A_76 = tpu.vector_load %arg9[%swap3A_74, %swap3A_75] {strides = array<i32>} : memref<128x128xf32, #tpu.memory_space<vmem>>, vector<1x16xf32>,
      %swap3A_77 = vector.shape_cast %swap3A_76 : vector<1x16xf32> to vector<16xf32>
      %swap3A_78 = vector.shape_cast %broadcast_in_dim3A_23 : vector<16xf32> to vector<1x16xf32>
      tpu.vector_store %arg9[%swap3A_74, %swap3A_75], %swap3A_78 {strides = array<i32>} : memref<128x128xf32, #tpu.memory_space<vmem>>, vector<1x16xf32>,
      %swap3A_79 = arith.index_cast %add3A_49 : i32 to index
      %swap3A_80 = arith.constant 96 : index
      %swap3A_81 = tpu.vector_load %arg9[%swap3A_79, %swap3A_80] {strides = array<i32>} : memref<128x128xf32, #tpu.memory_space<vmem>>, vector<1x16xf32>,
      %swap3A_82 = vector.shape_cast %swap3A_81 : vector<1x16xf32> to vector<16xf32>
      %swap3A_83 = vector.shape_cast %broadcast_in_dim3A_23 : vector<16xf32> to vector<1x16xf32>
      tpu.vector_store %arg9[%swap3A_79, %swap3A_80], %swap3A_83 {strides = array<i32>} : memref<128x128xf32, #tpu.memory_space<vmem>>, vector<1x16xf32>,
      %swap3A_84 = arith.index_cast %add3A_49 : i32 to index
      %swap3A_85 = arith.constant 112 : index
      %swap3A_86 = tpu.vector_load %arg9[%swap3A_84, %swap3A_85] {strides = array<i32>} : memref<128x128xf32, #tpu.memory_space<vmem>>, vector<1x16xf32>,
      %swap3A_87 = vector.shape_cast %swap3A_86 : vector<1x16xf32> to vector<16xf32>
      %swap3A_88 = vector.shape_cast %broadcast_in_dim3A_23 : vector<16xf32> to vector<1x16xf32>
      tpu.vector_store %arg9[%swap3A_84, %swap3A_85], %swap3A_88 {strides = array<i32>} : memref<128x128xf32, #tpu.memory_space<vmem>>, vector<1x16xf32>,
    }
    %scan3A_28 = arith.constant 128 : i32
    %barrier3A = arith.constant 0 : index
    tpu.barrier barrier_id(%barrier3A)
    %scan3A_29 = arith.constant 0 : i32
    %scan3A_30 = arith.constant 79 : i32
    %scan3A_31 = arith.addi %scan3A_29, %scan3A_30 : i32
    %scan3A_32 = arith.constant 1 : i32
    scf.for %scan3A_45 = %scan3A_29 to %scan3A_31 step %scan3A_32  : i32 {
      %mul3A_46 = arith.constant 1 : i32
      %mul3A_47 = arith.muli %scan3A_45, %mul3A_46 : i32
      %add3A_48 = arith.constant 0 : i32
      %add3A_49 = arith.addi %add3A_48, %mul3A_47 : i32
      %mul3A_50 = arith.constant 128 : i32
      %mul3A_51 = arith.muli %add3A_49, %mul3A_50 : i32
      %add3A_52 = arith.addi %mul3A_4, %mul3A_51 : i32
      "tpu.region"() ({
        %run_scoped3A = tpu.sem_alloc : memref<!tpu.dma_semaphore, #tpu.memory_space<semaphore_mem>>
        %dma_start3A = tpu.memref_slice %arg4[%add3A_52] : memref<323584xi32, #tpu.memory_space<hbm>> -> memref<128xi32, #tpu.memory_space<hbm>>
        %dma_start3A_53 = tpu.memref_slice %arg4[%add3A_52] : memref<323584xi32, #tpu.memory_space<hbm>> -> memref<128xi32, #tpu.memory_space<hbm>>
        tpu.enqueue_dma source(%dma_start3A_53 : memref<128xi32, #tpu.memory_space<hbm>>) target(%arg7 : memref<128xi32, #tpu.memory_space<vmem>>) target_semaphore(%run_scoped3A : memref<!tpu.dma_semaphore, #tpu.memory_space<semaphore_mem>>)
        %dma_wait3A = tpu.memref_slice %arg4[%add3A_52] : memref<323584xi32, #tpu.memory_space<hbm>> -> memref<128xi32, #tpu.memory_space<hbm>>
        %dma_wait3A_54 = tpu.memref_slice %arg4[%add3A_52] : memref<323584xi32, #tpu.memory_space<hbm>> -> memref<128xi32, #tpu.memory_space<hbm>>
        tpu.wait_dma2 semaphore(%run_scoped3A : memref<!tpu.dma_semaphore, #tpu.memory_space<semaphore_mem>>) src(%dma_wait3A_54 : memref<128xi32, #tpu.memory_space<hbm>>) dst(%arg7 : memref<128xi32, #tpu.memory_space<vmem>>)
        tpu.yield
      }) : () -> ()
      "tpu.region"() ({
        %run_scoped3A = tpu.sem_alloc : memref<!tpu.dma_semaphore, #tpu.memory_space<semaphore_mem>>
        %dma_start3A = arith.constant 0 : i32
        %dma_start3A_53 = arith.constant 0 : i32
        %dma_start3A_54 = tpu.memref_slice %arg10[%dma_start3A, %dma_start3A_53] : memref<10240x128xf32, #tpu.memory_space<vmem_shared>> -> memref<10240x128xf32, #tpu.memory_space<vmem_shared>>
        tpu.enqueue_indirect_dma source(%arg9 : memref<128x128xf32, #tpu.memory_space<vmem>>) target(%dma_start3A_54 : memref<10240x128xf32, #tpu.memory_space<vmem_shared>>) offsets(%arg7 : memref<128xi32, #tpu.memory_space<vmem>>) semaphore(%run_scoped3A : memref<!tpu.dma_semaphore, #tpu.memory_space<semaphore_mem>>) {add = true}
        %dma_wait3A = arith.constant 0 : i32
        %dma_wait3A_55 = arith.constant 0 : i32
        %dma_wait3A_56 = tpu.memref_slice %arg10[%dma_wait3A, %dma_wait3A_55] : memref<10240x128xf32, #tpu.memory_space<vmem_shared>> -> memref<10240x128xf32, #tpu.memory_space<vmem_shared>>
        tpu.wait_indirect_dma semaphore(%run_scoped3A : memref<!tpu.dma_semaphore, #tpu.memory_space<semaphore_mem>>) src(%arg9 : memref<128x128xf32, #tpu.memory_space<vmem>>) dst(%dma_wait3A_56 : memref<10240x128xf32, #tpu.memory_space<vmem_shared>>)
        tpu.yield
      }) : () -> ()
    }
    %scan3A_33 = arith.constant 79 : i32
    %barrier3A_34 = arith.constant 0 : index
    tpu.barrier barrier_id(%barrier3A_34)
    %add3A_35 = arith.constant 0 : i32
    %add3A_36 = arith.addi %mul3A_6, %add3A_35 : i32
    "tpu.region"() ({
      %run_scoped3A = tpu.sem_alloc : memref<!tpu.dma_semaphore, #tpu.memory_space<semaphore_mem>>
      %dma_start3A = arith.constant 0 : i32
      %dma_start3A_45 = tpu.memref_slice %arg10[%add3A_36, %dma_start3A] : memref<10240x128xf32, #tpu.memory_space<vmem_shared>> -> memref<128x128xf32, #tpu.memory_space<vmem_shared>>
      %dma_start3A_46 = arith.constant 0 : i32
      %dma_start3A_47 = tpu.memref_slice %arg10[%add3A_36, %dma_start3A_46] : memref<10240x128xf32, #tpu.memory_space<vmem_shared>> -> memref<128x128xf32, #tpu.memory_space<vmem_shared>>
      tpu.enqueue_dma source(%dma_start3A_47 : memref<128x128xf32, #tpu.memory_space<vmem_shared>>) target(%arg8 : memref<128x128xf32, #tpu.memory_space<vmem>>) target_semaphore(%run_scoped3A : memref<!tpu.dma_semaphore, #tpu.memory_space<semaphore_mem>>)
      %dma_wait3A = arith.constant 0 : i32
      %dma_wait3A_48 = tpu.memref_slice %arg10[%add3A_36, %dma_wait3A] : memref<10240x128xf32, #tpu.memory_space<vmem_shared>> -> memref<128x128xf32, #tpu.memory_space<vmem_shared>>
      %dma_wait3A_49 = arith.constant 0 : i32
      %dma_wait3A_50 = tpu.memref_slice %arg10[%add3A_36, %dma_wait3A_49] : memref<10240x128xf32, #tpu.memory_space<vmem_shared>> -> memref<128x128xf32, #tpu.memory_space<vmem_shared>>
      tpu.wait_dma2 semaphore(%run_scoped3A : memref<!tpu.dma_semaphore, #tpu.memory_space<semaphore_mem>>) src(%dma_wait3A_50 : memref<128x128xf32, #tpu.memory_space<vmem_shared>>) dst(%arg8 : memref<128x128xf32, #tpu.memory_space<vmem>>)
      tpu.yield
    }) : () -> ()
    "tpu.region"() ({
      %run_scoped3A = tpu.sem_alloc : memref<!tpu.dma_semaphore, #tpu.memory_space<semaphore_mem>>
      %dma_start3A = arith.constant 0 : i32
      %dma_start3A_45 = tpu.memref_slice %arg5[%arg0, %add3A_36, %dma_start3A] : memref<2x10240x128xf32, #tpu.memory_space<hbm>> -> memref<1x128x128xf32, #tpu.memory_space<hbm>>
      %dma_start3A_46 = tpu.memref_squeeze %dma_start3A_45 : memref<1x128x128xf32, #tpu.memory_space<hbm>> -> memref<128x128xf32, #tpu.memory_space<hbm>>
      %dma_start3A_47 = arith.constant 0 : i32
      %dma_start3A_48 = tpu.memref_slice %arg5[%arg0, %add3A_36, %dma_start3A_47] : memref<2x10240x128xf32, #tpu.memory_space<hbm>> -> memref<1x128x128xf32, #tpu.memory_space<hbm>>
      %dma_start3A_49 = tpu.memref_squeeze %dma_start3A_48 : memref<1x128x128xf32, #tpu.memory_space<hbm>> -> memref<128x128xf32, #tpu.memory_space<hbm>>
      tpu.enqueue_dma source(%arg8 : memref<128x128xf32, #tpu.memory_space<vmem>>) target(%dma_start3A_49 : memref<128x128xf32, #tpu.memory_space<hbm>>) target_semaphore(%run_scoped3A : memref<!tpu.dma_semaphore, #tpu.memory_space<semaphore_mem>>)
      %dma_wait3A = arith.constant 0 : i32
      %dma_wait3A_50 = tpu.memref_slice %arg5[%arg0, %add3A_36, %dma_wait3A] : memref<2x10240x128xf32, #tpu.memory_space<hbm>> -> memref<1x128x128xf32, #tpu.memory_space<hbm>>
      %dma_wait3A_51 = tpu.memref_squeeze %dma_wait3A_50 : memref<1x128x128xf32, #tpu.memory_space<hbm>> -> memref<128x128xf32, #tpu.memory_space<hbm>>
      %dma_wait3A_52 = arith.constant 0 : i32
      %dma_wait3A_53 = tpu.memref_slice %arg5[%arg0, %add3A_36, %dma_wait3A_52] : memref<2x10240x128xf32, #tpu.memory_space<hbm>> -> memref<1x128x128xf32, #tpu.memory_space<hbm>>
      %dma_wait3A_54 = tpu.memref_squeeze %dma_wait3A_53 : memref<1x128x128xf32, #tpu.memory_space<hbm>> -> memref<128x128xf32, #tpu.memory_space<hbm>>
      tpu.wait_dma2 semaphore(%run_scoped3A : memref<!tpu.dma_semaphore, #tpu.memory_space<semaphore_mem>>) src(%arg8 : memref<128x128xf32, #tpu.memory_space<vmem>>) dst(%dma_wait3A_54 : memref<128x128xf32, #tpu.memory_space<hbm>>)
      tpu.yield
    }) : () -> ()
    %add3A_37 = arith.constant 128 : i32
    %add3A_38 = arith.addi %mul3A_6, %add3A_37 : i32
    "tpu.region"() ({
      %run_scoped3A = tpu.sem_alloc : memref<!tpu.dma_semaphore, #tpu.memory_space<semaphore_mem>>
      %dma_start3A = arith.constant 0 : i32
      %dma_start3A_45 = tpu.memref_slice %arg10[%add3A_38, %dma_start3A] : memref<10240x128xf32, #tpu.memory_space<vmem_shared>> -> memref<128x128xf32, #tpu.memory_space<vmem_shared>>
      %dma_start3A_46 = arith.constant 0 : i32
      %dma_start3A_47 = tpu.memref_slice %arg10[%add3A_38, %dma_start3A_46] : memref<10240x128xf32, #tpu.memory_space<vmem_shared>> -> memref<128x128xf32, #tpu.memory_space<vmem_shared>>
      tpu.enqueue_dma source(%dma_start3A_47 : memref<128x128xf32, #tpu.memory_space<vmem_shared>>) target(%arg8 : memref<128x128xf32, #tpu.memory_space<vmem>>) target_semaphore(%run_scoped3A : memref<!tpu.dma_semaphore, #tpu.memory_space<semaphore_mem>>)
      %dma_wait3A = arith.constant 0 : i32
      %dma_wait3A_48 = tpu.memref_slice %arg10[%add3A_38, %dma_wait3A] : memref<10240x128xf32, #tpu.memory_space<vmem_shared>> -> memref<128x128xf32, #tpu.memory_space<vmem_shared>>
      %dma_wait3A_49 = arith.constant 0 : i32
      %dma_wait3A_50 = tpu.memref_slice %arg10[%add3A_38, %dma_wait3A_49] : memref<10240x128xf32, #tpu.memory_space<vmem_shared>> -> memref<128x128xf32, #tpu.memory_space<vmem_shared>>
      tpu.wait_dma2 semaphore(%run_scoped3A : memref<!tpu.dma_semaphore, #tpu.memory_space<semaphore_mem>>) src(%dma_wait3A_50 : memref<128x128xf32, #tpu.memory_space<vmem_shared>>) dst(%arg8 : memref<128x128xf32, #tpu.memory_space<vmem>>)
      tpu.yield
    }) : () -> ()
    "tpu.region"() ({
      %run_scoped3A = tpu.sem_alloc : memref<!tpu.dma_semaphore, #tpu.memory_space<semaphore_mem>>
      %dma_start3A = arith.constant 0 : i32
      %dma_start3A_45 = tpu.memref_slice %arg5[%arg0, %add3A_38, %dma_start3A] : memref<2x10240x128xf32, #tpu.memory_space<hbm>> -> memref<1x128x128xf32, #tpu.memory_space<hbm>>
      %dma_start3A_46 = tpu.memref_squeeze %dma_start3A_45 : memref<1x128x128xf32, #tpu.memory_space<hbm>> -> memref<128x128xf32, #tpu.memory_space<hbm>>
      %dma_start3A_47 = arith.constant 0 : i32
      %dma_start3A_48 = tpu.memref_slice %arg5[%arg0, %add3A_38, %dma_start3A_47] : memref<2x10240x128xf32, #tpu.memory_space<hbm>> -> memref<1x128x128xf32, #tpu.memory_space<hbm>>
      %dma_start3A_49 = tpu.memref_squeeze %dma_start3A_48 : memref<1x128x128xf32, #tpu.memory_space<hbm>> -> memref<128x128xf32, #tpu.memory_space<hbm>>
      tpu.enqueue_dma source(%arg8 : memref<128x128xf32, #tpu.memory_space<vmem>>) target(%dma_start3A_49 : memref<128x128xf32, #tpu.memory_space<hbm>>) target_semaphore(%run_scoped3A : memref<!tpu.dma_semaphore, #tpu.memory_space<semaphore_mem>>)
      %dma_wait3A = arith.constant 0 : i32
      %dma_wait3A_50 = tpu.memref_slice %arg5[%arg0, %add3A_38, %dma_wait3A] : memref<2x10240x128xf32, #tpu.memory_space<hbm>> -> memref<1x128x128xf32, #tpu.memory_space<hbm>>
      %dma_wait3A_51 = tpu.memref_squeeze %dma_wait3A_50 : memref<1x128x128xf32, #tpu.memory_space<hbm>> -> memref<128x128xf32, #tpu.memory_space<hbm>>
      %dma_wait3A_52 = arith.constant 0 : i32
      %dma_wait3A_53 = tpu.memref_slice %arg5[%arg0, %add3A_38, %dma_wait3A_52] : memref<2x10240x128xf32, #tpu.memory_space<hbm>> -> memref<1x128x128xf32, #tpu.memory_space<hbm>>
      %dma_wait3A_54 = tpu.memref_squeeze %dma_wait3A_53 : memref<1x128x128xf32, #tpu.memory_space<hbm>> -> memref<128x128xf32, #tpu.memory_space<hbm>>
      tpu.wait_dma2 semaphore(%run_scoped3A : memref<!tpu.dma_semaphore, #tpu.memory_space<semaphore_mem>>) src(%arg8 : memref<128x128xf32, #tpu.memory_space<vmem>>) dst(%dma_wait3A_54 : memref<128x128xf32, #tpu.memory_space<hbm>>)
      tpu.yield
    }) : () -> ()
    %add3A_39 = arith.constant 256 : i32
    %add3A_40 = arith.addi %mul3A_6, %add3A_39 : i32
    "tpu.region"() ({
      %run_scoped3A = tpu.sem_alloc : memref<!tpu.dma_semaphore, #tpu.memory_space<semaphore_mem>>
      %dma_start3A = arith.constant 0 : i32
      %dma_start3A_45 = tpu.memref_slice %arg10[%add3A_40, %dma_start3A] : memref<10240x128xf32, #tpu.memory_space<vmem_shared>> -> memref<128x128xf32, #tpu.memory_space<vmem_shared>>
      %dma_start3A_46 = arith.constant 0 : i32
      %dma_start3A_47 = tpu.memref_slice %arg10[%add3A_40, %dma_start3A_46] : memref<10240x128xf32, #tpu.memory_space<vmem_shared>> -> memref<128x128xf32, #tpu.memory_space<vmem_shared>>
      tpu.enqueue_dma source(%dma_start3A_47 : memref<128x128xf32, #tpu.memory_space<vmem_shared>>) target(%arg8 : memref<128x128xf32, #tpu.memory_space<vmem>>) target_semaphore(%run_scoped3A : memref<!tpu.dma_semaphore, #tpu.memory_space<semaphore_mem>>)
      %dma_wait3A = arith.constant 0 : i32
      %dma_wait3A_48 = tpu.memref_slice %arg10[%add3A_40, %dma_wait3A] : memref<10240x128xf32, #tpu.memory_space<vmem_shared>> -> memref<128x128xf32, #tpu.memory_space<vmem_shared>>
      %dma_wait3A_49 = arith.constant 0 : i32
      %dma_wait3A_50 = tpu.memref_slice %arg10[%add3A_40, %dma_wait3A_49] : memref<10240x128xf32, #tpu.memory_space<vmem_shared>> -> memref<128x128xf32, #tpu.memory_space<vmem_shared>>
      tpu.wait_dma2 semaphore(%run_scoped3A : memref<!tpu.dma_semaphore, #tpu.memory_space<semaphore_mem>>) src(%dma_wait3A_50 : memref<128x128xf32, #tpu.memory_space<vmem_shared>>) dst(%arg8 : memref<128x128xf32, #tpu.memory_space<vmem>>)
      tpu.yield
    }) : () -> ()
    "tpu.region"() ({
      %run_scoped3A = tpu.sem_alloc : memref<!tpu.dma_semaphore, #tpu.memory_space<semaphore_mem>>
      %dma_start3A = arith.constant 0 : i32
      %dma_start3A_45 = tpu.memref_slice %arg5[%arg0, %add3A_40, %dma_start3A] : memref<2x10240x128xf32, #tpu.memory_space<hbm>> -> memref<1x128x128xf32, #tpu.memory_space<hbm>>
      %dma_start3A_46 = tpu.memref_squeeze %dma_start3A_45 : memref<1x128x128xf32, #tpu.memory_space<hbm>> -> memref<128x128xf32, #tpu.memory_space<hbm>>
      %dma_start3A_47 = arith.constant 0 : i32
      %dma_start3A_48 = tpu.memref_slice %arg5[%arg0, %add3A_40, %dma_start3A_47] : memref<2x10240x128xf32, #tpu.memory_space<hbm>> -> memref<1x128x128xf32, #tpu.memory_space<hbm>>
      %dma_start3A_49 = tpu.memref_squeeze %dma_start3A_48 : memref<1x128x128xf32, #tpu.memory_space<hbm>> -> memref<128x128xf32, #tpu.memory_space<hbm>>
      tpu.enqueue_dma source(%arg8 : memref<128x128xf32, #tpu.memory_space<vmem>>) target(%dma_start3A_49 : memref<128x128xf32, #tpu.memory_space<hbm>>) target_semaphore(%run_scoped3A : memref<!tpu.dma_semaphore, #tpu.memory_space<semaphore_mem>>)
      %dma_wait3A = arith.constant 0 : i32
      %dma_wait3A_50 = tpu.memref_slice %arg5[%arg0, %add3A_40, %dma_wait3A] : memref<2x10240x128xf32, #tpu.memory_space<hbm>> -> memref<1x128x128xf32, #tpu.memory_space<hbm>>
      %dma_wait3A_51 = tpu.memref_squeeze %dma_wait3A_50 : memref<1x128x128xf32, #tpu.memory_space<hbm>> -> memref<128x128xf32, #tpu.memory_space<hbm>>
      %dma_wait3A_52 = arith.constant 0 : i32
      %dma_wait3A_53 = tpu.memref_slice %arg5[%arg0, %add3A_40, %dma_wait3A_52] : memref<2x10240x128xf32, #tpu.memory_space<hbm>> -> memref<1x128x128xf32, #tpu.memory_space<hbm>>
      %dma_wait3A_54 = tpu.memref_squeeze %dma_wait3A_53 : memref<1x128x128xf32, #tpu.memory_space<hbm>> -> memref<128x128xf32, #tpu.memory_space<hbm>>
      tpu.wait_dma2 semaphore(%run_scoped3A : memref<!tpu.dma_semaphore, #tpu.memory_space<semaphore_mem>>) src(%arg8 : memref<128x128xf32, #tpu.memory_space<vmem>>) dst(%dma_wait3A_54 : memref<128x128xf32, #tpu.memory_space<hbm>>)
      tpu.yield
    }) : () -> ()
    %add3A_41 = arith.constant 384 : i32
    %add3A_42 = arith.addi %mul3A_6, %add3A_41 : i32
    "tpu.region"() ({
      %run_scoped3A = tpu.sem_alloc : memref<!tpu.dma_semaphore, #tpu.memory_space<semaphore_mem>>
      %dma_start3A = arith.constant 0 : i32
      %dma_start3A_45 = tpu.memref_slice %arg10[%add3A_42, %dma_start3A] : memref<10240x128xf32, #tpu.memory_space<vmem_shared>> -> memref<128x128xf32, #tpu.memory_space<vmem_shared>>
      %dma_start3A_46 = arith.constant 0 : i32
      %dma_start3A_47 = tpu.memref_slice %arg10[%add3A_42, %dma_start3A_46] : memref<10240x128xf32, #tpu.memory_space<vmem_shared>> -> memref<128x128xf32, #tpu.memory_space<vmem_shared>>
      tpu.enqueue_dma source(%dma_start3A_47 : memref<128x128xf32, #tpu.memory_space<vmem_shared>>) target(%arg8 : memref<128x128xf32, #tpu.memory_space<vmem>>) target_semaphore(%run_scoped3A : memref<!tpu.dma_semaphore, #tpu.memory_space<semaphore_mem>>)
      %dma_wait3A = arith.constant 0 : i32
      %dma_wait3A_48 = tpu.memref_slice %arg10[%add3A_42, %dma_wait3A] : memref<10240x128xf32, #tpu.memory_space<vmem_shared>> -> memref<128x128xf32, #tpu.memory_space<vmem_shared>>
      %dma_wait3A_49 = arith.constant 0 : i32
      %dma_wait3A_50 = tpu.memref_slice %arg10[%add3A_42, %dma_wait3A_49] : memref<10240x128xf32, #tpu.memory_space<vmem_shared>> -> memref<128x128xf32, #tpu.memory_space<vmem_shared>>
      tpu.wait_dma2 semaphore(%run_scoped3A : memref<!tpu.dma_semaphore, #tpu.memory_space<semaphore_mem>>) src(%dma_wait3A_50 : memref<128x128xf32, #tpu.memory_space<vmem_shared>>) dst(%arg8 : memref<128x128xf32, #tpu.memory_space<vmem>>)
      tpu.yield
    }) : () -> ()
    "tpu.region"() ({
      %run_scoped3A = tpu.sem_alloc : memref<!tpu.dma_semaphore, #tpu.memory_space<semaphore_mem>>
      %dma_start3A = arith.constant 0 : i32
      %dma_start3A_45 = tpu.memref_slice %arg5[%arg0, %add3A_42, %dma_start3A] : memref<2x10240x128xf32, #tpu.memory_space<hbm>> -> memref<1x128x128xf32, #tpu.memory_space<hbm>>
      %dma_start3A_46 = tpu.memref_squeeze %dma_start3A_45 : memref<1x128x128xf32, #tpu.memory_space<hbm>> -> memref<128x128xf32, #tpu.memory_space<hbm>>
      %dma_start3A_47 = arith.constant 0 : i32
      %dma_start3A_48 = tpu.memref_slice %arg5[%arg0, %add3A_42, %dma_start3A_47] : memref<2x10240x128xf32, #tpu.memory_space<hbm>> -> memref<1x128x128xf32, #tpu.memory_space<hbm>>
      %dma_start3A_49 = tpu.memref_squeeze %dma_start3A_48 : memref<1x128x128xf32, #tpu.memory_space<hbm>> -> memref<128x128xf32, #tpu.memory_space<hbm>>
      tpu.enqueue_dma source(%arg8 : memref<128x128xf32, #tpu.memory_space<vmem>>) target(%dma_start3A_49 : memref<128x128xf32, #tpu.memory_space<hbm>>) target_semaphore(%run_scoped3A : memref<!tpu.dma_semaphore, #tpu.memory_space<semaphore_mem>>)
      %dma_wait3A = arith.constant 0 : i32
      %dma_wait3A_50 = tpu.memref_slice %arg5[%arg0, %add3A_42, %dma_wait3A] : memref<2x10240x128xf32, #tpu.memory_space<hbm>> -> memref<1x128x128xf32, #tpu.memory_space<hbm>>
      %dma_wait3A_51 = tpu.memref_squeeze %dma_wait3A_50 : memref<1x128x128xf32, #tpu.memory_space<hbm>> -> memref<128x128xf32, #tpu.memory_space<hbm>>
      %dma_wait3A_52 = arith.constant 0 : i32
      %dma_wait3A_53 = tpu.memref_slice %arg5[%arg0, %add3A_42, %dma_wait3A_52] : memref<2x10240x128xf32, #tpu.memory_space<hbm>> -> memref<1x128x128xf32, #tpu.memory_space<hbm>>
      %dma_wait3A_54 = tpu.memref_squeeze %dma_wait3A_53 : memref<1x128x128xf32, #tpu.memory_space<hbm>> -> memref<128x128xf32, #tpu.memory_space<hbm>>
      tpu.wait_dma2 semaphore(%run_scoped3A : memref<!tpu.dma_semaphore, #tpu.memory_space<semaphore_mem>>) src(%arg8 : memref<128x128xf32, #tpu.memory_space<vmem>>) dst(%dma_wait3A_54 : memref<128x128xf32, #tpu.memory_space<hbm>>)
      tpu.yield
    }) : () -> ()
    %add3A_43 = arith.constant 512 : i32
    %add3A_44 = arith.addi %mul3A_6, %add3A_43 : i32
    "tpu.region"() ({
      %run_scoped3A = tpu.sem_alloc : memref<!tpu.dma_semaphore, #tpu.memory_space<semaphore_mem>>
      %dma_start3A = arith.constant 0 : i32
      %dma_start3A_45 = tpu.memref_slice %arg10[%add3A_44, %dma_start3A] : memref<10240x128xf32, #tpu.memory_space<vmem_shared>> -> memref<128x128xf32, #tpu.memory_space<vmem_shared>>
      %dma_start3A_46 = arith.constant 0 : i32
      %dma_start3A_47 = tpu.memref_slice %arg10[%add3A_44, %dma_start3A_46] : memref<10240x128xf32, #tpu.memory_space<vmem_shared>> -> memref<128x128xf32, #tpu.memory_space<vmem_shared>>
      tpu.enqueue_dma source(%dma_start3A_47 : memref<128x128xf32, #tpu.memory_space<vmem_shared>>) target(%arg8 : memref<128x128xf32, #tpu.memory_space<vmem>>) target_semaphore(%run_scoped3A : memref<!tpu.dma_semaphore, #tpu.memory_space<semaphore_mem>>)
      %dma_wait3A = arith.constant 0 : i32
      %dma_wait3A_48 = tpu.memref_slice %arg10[%add3A_44, %dma_wait3A] : memref<10240x128xf32, #tpu.memory_space<vmem_shared>> -> memref<128x128xf32, #tpu.memory_space<vmem_shared>>
      %dma_wait3A_49 = arith.constant 0 : i32
      %dma_wait3A_50 = tpu.memref_slice %arg10[%add3A_44, %dma_wait3A_49] : memref<10240x128xf32, #tpu.memory_space<vmem_shared>> -> memref<128x128xf32, #tpu.memory_space<vmem_shared>>
      tpu.wait_dma2 semaphore(%run_scoped3A : memref<!tpu.dma_semaphore, #tpu.memory_space<semaphore_mem>>) src(%dma_wait3A_50 : memref<128x128xf32, #tpu.memory_space<vmem_shared>>) dst(%arg8 : memref<128x128xf32, #tpu.memory_space<vmem>>)
      tpu.yield
    }) : () -> ()
    "tpu.region"() ({
      %run_scoped3A = tpu.sem_alloc : memref<!tpu.dma_semaphore, #tpu.memory_space<semaphore_mem>>
      %dma_start3A = arith.constant 0 : i32
      %dma_start3A_45 = tpu.memref_slice %arg5[%arg0, %add3A_44, %dma_start3A] : memref<2x10240x128xf32, #tpu.memory_space<hbm>> -> memref<1x128x128xf32, #tpu.memory_space<hbm>>
      %dma_start3A_46 = tpu.memref_squeeze %dma_start3A_45 : memref<1x128x128xf32, #tpu.memory_space<hbm>> -> memref<128x128xf32, #tpu.memory_space<hbm>>
      %dma_start3A_47 = arith.constant 0 : i32
      %dma_start3A_48 = tpu.memref_slice %arg5[%arg0, %add3A_44, %dma_start3A_47] : memref<2x10240x128xf32, #tpu.memory_space<hbm>> -> memref<1x128x128xf32, #tpu.memory_space<hbm>>
      %dma_start3A_49 = tpu.memref_squeeze %dma_start3A_48 : memref<1x128x128xf32, #tpu.memory_space<hbm>> -> memref<128x128xf32, #tpu.memory_space<hbm>>
      tpu.enqueue_dma source(%arg8 : memref<128x128xf32, #tpu.memory_space<vmem>>) target(%dma_start3A_49 : memref<128x128xf32, #tpu.memory_space<hbm>>) target_semaphore(%run_scoped3A : memref<!tpu.dma_semaphore, #tpu.memory_space<semaphore_mem>>)
      %dma_wait3A = arith.constant 0 : i32
      %dma_wait3A_50 = tpu.memref_slice %arg5[%arg0, %add3A_44, %dma_wait3A] : memref<2x10240x128xf32, #tpu.memory_space<hbm>> -> memref<1x128x128xf32, #tpu.memory_space<hbm>>
      %dma_wait3A_51 = tpu.memref_squeeze %dma_wait3A_50 : memref<1x128x128xf32, #tpu.memory_space<hbm>> -> memref<128x128xf32, #tpu.memory_space<hbm>>
      %dma_wait3A_52 = arith.constant 0 : i32
      %dma_wait3A_53 = tpu.memref_slice %arg5[%arg0, %add3A_44, %dma_wait3A_52] : memref<2x10240x128xf32, #tpu.memory_space<hbm>> -> memref<1x128x128xf32, #tpu.memory_space<hbm>>
      %dma_wait3A_54 = tpu.memref_squeeze %dma_wait3A_53 : memref<1x128x128xf32, #tpu.memory_space<hbm>> -> memref<128x128xf32, #tpu.memory_space<hbm>>
      tpu.wait_dma2 semaphore(%run_scoped3A : memref<!tpu.dma_semaphore, #tpu.memory_space<semaphore_mem>>) src(%arg8 : memref<128x128xf32, #tpu.memory_space<vmem>>) dst(%dma_wait3A_54 : memref<128x128xf32, #tpu.memory_space<hbm>>)
      tpu.yield
    }) : () -> ()
    return
  }
}

module attributes {stable_mosaic.version = 14 : i64} {
  func.func @body(%arg0: i32, %arg1: memref<1000x128xf32, #tpu.memory_space<vmem>>, %arg2: memref<128x128xf32, #tpu.memory_space<vmem>>, %arg3: memref<128x128xf32, #tpu.memory_space<vmem>>, %arg4: memref<1x128xf32, #tpu.memory_space<vmem>>, %arg5: memref<2x1000x128xf32, #tpu.memory_space<vmem>>, %arg6: memref<2x1000x128xf32, #tpu.memory_space<vmem>>, %arg7: memref<1000x128xf32, #tpu.memory_space<vmem>>) attributes {dimension_semantics = [#tpu.dimension_semantics<arbitrary>], iteration_bounds = array<i64: 10>, scalar_prefetch = 0 : i64, scratch_operands = 0 : i64, tpu.core_type = #tpu.core_type<tc>, window_params = [{transform_indices = @transform_0, window_bounds = array<i64: 1000, 128>}, {pipeline_mode = #tpu.pipeline_mode<synchronous>, transform_indices = @transform_1, window_bounds = array<i64: 128, 128>}, {pipeline_mode = #tpu.pipeline_mode<synchronous>, transform_indices = @transform_2, window_bounds = array<i64: 128, 128>}, {pipeline_mode = #tpu.pipeline_mode<synchronous>, transform_indices = @transform_3, window_bounds = array<i64: 1, 128>}, {transform_indices = @transform_4, window_bounds = array<i64: 2, 1000, 128>}, {transform_indices = @transform_5, window_bounds = array<i64: 2, 1000, 128>}, {transform_indices = @transform_6, window_bounds = array<i64: 1000, 128>}]} {
    %get3A = arith.constant 0 : index
    %get3A_0 = arith.constant 0 : index
    %get3A_1 = arith.constant 0 : index
    %get3A_2 = vector.load %arg5[%get3A, %get3A_0, %get3A_1] : memref<2x1000x128xf32, #tpu.memory_space<vmem>>, vector<1x1000x128xf32>
    %get3A_3 = vector.shape_cast %get3A_2 : vector<1x1000x128xf32> to vector<1000x128xf32>
    %get3A_4 = arith.constant 1 : index
    %get3A_5 = arith.constant 0 : index
    %get3A_6 = arith.constant 0 : index
    %get3A_7 = vector.load %arg5[%get3A_4, %get3A_5, %get3A_6] : memref<2x1000x128xf32, #tpu.memory_space<vmem>>, vector<1x1000x128xf32>
    %get3A_8 = vector.shape_cast %get3A_7 : vector<1x1000x128xf32> to vector<1000x128xf32>
    %add3A = arith.addf %get3A_3, %get3A_8 : vector<1000x128xf32>
    %get3A_9 = arith.constant 0 : index
    %get3A_10 = arith.constant 0 : index
    %get3A_11 = arith.constant 0 : index
    %get3A_12 = vector.load %arg6[%get3A_9, %get3A_10, %get3A_11] : memref<2x1000x128xf32, #tpu.memory_space<vmem>>, vector<1x1000x128xf32>
    %get3A_13 = vector.shape_cast %get3A_12 : vector<1x1000x128xf32> to vector<1000x128xf32>
    %slice3A = vector.extract_strided_slice %get3A_13 {offsets = [0, 0], sizes = [1000, 1], strides = [1, 1]} : vector<1000x128xf32> to vector<1000x1xf32>
    %get3A_14 = arith.constant 1 : index
    %get3A_15 = arith.constant 0 : index
    %get3A_16 = arith.constant 0 : index
    %get3A_17 = vector.load %arg6[%get3A_14, %get3A_15, %get3A_16] : memref<2x1000x128xf32, #tpu.memory_space<vmem>>, vector<1x1000x128xf32>
    %get3A_18 = vector.shape_cast %get3A_17 : vector<1x1000x128xf32> to vector<1000x128xf32>
    %slice3A_19 = vector.extract_strided_slice %get3A_18 {offsets = [0, 0], sizes = [1000, 1], strides = [1, 1]} : vector<1000x128xf32> to vector<1000x1xf32>
    %add3A_20 = arith.addf %slice3A, %slice3A_19 : vector<1000x1xf32>
    %max3A = arith.constant 1.000000e+00 : f32
    %max3A_21 = vector.broadcast %max3A : f32 to vector<1000x1xf32>
    %max3A_22 = arith.maximumf %add3A_20, %max3A_21 : vector<1000x1xf32>
    %div3A = vector.broadcast %max3A_22 : vector<1000x1xf32> to vector<1000x128xf32>
    %div3A_23 = arith.divf %add3A, %div3A : vector<1000x128xf32>
    %get3A_24 = arith.constant 0 : index
    %get3A_25 = arith.constant 0 : index
    %get3A_26 = vector.load %arg1[%get3A_24, %get3A_25] : memref<1000x128xf32, #tpu.memory_space<vmem>>, vector<1000x128xf32>
    %get3A_27 = arith.constant 0 : index
    %get3A_28 = arith.constant 0 : index
    %get3A_29 = vector.load %arg2[%get3A_27, %get3A_28] : memref<128x128xf32, #tpu.memory_space<vmem>>, vector<128x128xf32>
    %dot_general3A = arith.constant dense<0.000000e+00> : vector<1000x128xf32>
    %dot_general3A_30 = tpu.matmul %get3A_26, %get3A_29, %dot_general3A {dimension_numbers = #tpu.dot_dimension_numbers<[1], [0], [0], [1], [0, 0, 1, 1], [], []>, transpose_lhs_hint = false} : vector<1000x128xf32>, vector<128x128xf32>, vector<1000x128xf32> -> vector<1000x128xf32>
    %get3A_31 = arith.constant 0 : index
    %get3A_32 = arith.constant 0 : index
    %get3A_33 = vector.load %arg3[%get3A_31, %get3A_32] : memref<128x128xf32, #tpu.memory_space<vmem>>, vector<128x128xf32>
    %dot_general3A_34 = arith.constant dense<0.000000e+00> : vector<1000x128xf32>
    %dot_general3A_35 = tpu.matmul %div3A_23, %get3A_33, %dot_general3A_34 {dimension_numbers = #tpu.dot_dimension_numbers<[1], [0], [0], [1], [0, 0, 1, 1], [], []>, transpose_lhs_hint = false} : vector<1000x128xf32>, vector<128x128xf32>, vector<1000x128xf32> -> vector<1000x128xf32>
    %add3A_36 = arith.addf %dot_general3A_30, %dot_general3A_35 : vector<1000x128xf32>
    %get3A_37 = arith.constant 0 : index
    %get3A_38 = arith.constant 0 : index
    %get3A_39 = vector.load %arg4[%get3A_37, %get3A_38] : memref<1x128xf32, #tpu.memory_space<vmem>>, vector<1x128xf32>
    %add3A_40 = vector.broadcast %get3A_39 : vector<1x128xf32> to vector<1000x128xf32>
    %add3A_41 = arith.addf %add3A_36, %add3A_40 : vector<1000x128xf32>
    %max3A_42 = arith.constant 0.000000e+00 : f32
    %max3A_43 = vector.broadcast %max3A_42 : f32 to vector<1000x128xf32>
    %max3A_44 = arith.maximumf %add3A_41, %max3A_43 : vector<1000x128xf32>
    %swap3A = arith.constant 0 : index
    %swap3A_45 = arith.constant 0 : index
    %swap3A_46 = vector.load %arg7[%swap3A, %swap3A_45] : memref<1000x128xf32, #tpu.memory_space<vmem>>, vector<1000x128xf32>
    tpu.vector_store %arg7[%swap3A, %swap3A_45], %max3A_44 {strides = array<i32>} : memref<1000x128xf32, #tpu.memory_space<vmem>>, vector<1000x128xf32>,
    return
  }
  func.func @transform_0(%arg0: i32) -> (i32, i32) {
    %c0_i32 = arith.constant 0 : i32
    %c0_i32_0 = arith.constant 0 : i32
    return %arg0, %c0_i32 : i32, i32
  }
  func.func @transform_1(%arg0: i32) -> (i32, i32) {
    %c0_i32 = arith.constant 0 : i32
    %c0_i32_0 = arith.constant 0 : i32
    %c0_i32_1 = arith.constant 0 : i32
    return %c0_i32, %c0_i32_0 : i32, i32
  }
  func.func @transform_2(%arg0: i32) -> (i32, i32) {
    %c0_i32 = arith.constant 0 : i32
    %c0_i32_0 = arith.constant 0 : i32
    %c0_i32_1 = arith.constant 0 : i32
    return %c0_i32, %c0_i32_0 : i32, i32
  }
  func.func @transform_3(%arg0: i32) -> (i32, i32) {
    %c0_i32 = arith.constant 0 : i32
    %c0_i32_0 = arith.constant 0 : i32
    %c0_i32_1 = arith.constant 0 : i32
    return %c0_i32, %c0_i32_0 : i32, i32
  }
  func.func @transform_4(%arg0: i32) -> (i32, i32, i32) {
    %c0_i32 = arith.constant 0 : i32
    %c0_i32_0 = arith.constant 0 : i32
    %c0_i32_1 = arith.constant 0 : i32
    return %c0_i32, %arg0, %c0_i32_0 : i32, i32, i32
  }
  func.func @transform_5(%arg0: i32) -> (i32, i32, i32) {
    %c0_i32 = arith.constant 0 : i32
    %c0_i32_0 = arith.constant 0 : i32
    %c0_i32_1 = arith.constant 0 : i32
    return %c0_i32, %arg0, %c0_i32_0 : i32, i32, i32
  }
  func.func @transform_6(%arg0: i32) -> (i32, i32) {
    %c0_i32 = arith.constant 0 : i32
    %c0_i32_0 = arith.constant 0 : i32
    return %arg0, %c0_i32 : i32, i32
  }
}

</mosaic_0001>

<sc_bundles>
// kernel: kernel.5.cloned.1.call-start
scs
__scs_entry_jumppad:
0x0: {  	(pc) =	sbr.rel $0x88, $3  }
0x1: {  	(tag) =	ssettag $0x0;
	lr =	simm.s32 $0x1  }
0x2: {  	[smem:$0x3F9C] =	sst lr;
	_ =	strace $0xD0000000  }
0x3: {  	_ = 	snop  }
0x4: {  	_ = 	snop  }
0x5: {  	_ = 	snop  }
0x6: {  	_ = 	snop  }
0x7: {  	_ = 	snop  }
__scs_overlays_trampoline_lowered:
0x8: {  	[smem:$0x3FAB] =	sst s0  }
0x9: {  	[smem:$0x3FAC] =	sst s1  }
0xa: {  	[smem:$0x3FAD] =	sst s2  }
0xb: {  	[smem:$0x3FAE] =	sst s3  }
0xc: {  	[smem:$0x3FAF] =	sst s4  }
0xd: {  	[smem:$0x3FB0] =	sst s5  }
0xe: {  	[smem:$0x3FB1] =	sst s6  }
0xf: {  	[smem:$0x3FB2] =	sst s7  }
0x10: {  	[smem:$0x3FB3] =	sst s8  }
0x11: {  	[smem:$0x3FB4] =	sst s9;
	s0 =	simm.s32 @!p0 $0x0  }
0x12: {  	s1 =	sld [smem:$0x3F9A];
	s0 =	simm.s32 @p0 $0x1  }
0x13: {  	[smem:$0x3FB5] =	sst s0;
	s0 =	simm.s32 @!p1 $0x0  }
0x14: {  	s2 =	sld [smem:$0x3F99];
	s0 =	simm.s32 @p1 $0x1  }
0x15: {  	[smem:$0x3FB6] =	sst s0;
	s0 =	simm.s32 @!p2 $0x0  }
0x16: {  	s3 =	sld [smem:$0x3FDB];
	s0 =	simm.s32 @p2 $0x1  }
0x17: {  	s4 =	simm.s32 $0x1BF5;
	[smem:$0x3FB8] =	sst s0  }
0x18: {  	s0 =	sld [smem:$0x3F9B];
	_ =	swait.ge [sflag:s4], $0x0  }
0x19: {  	s7 =	sld [smem:$0x3F9C]  }
0x1a: {  	s8 =	sadd.s32 $0xFFFFE003, lr  }
0x1b: {  	s9 =	sadd.s32 $0xFFFFFEF7, lr;
	s5 =	simm.s32 $0xFFFFFFFF;
	p2 =	slt.u32 s8, $0xFFFFF086  }
0x1c: {  	p1 =	slt.u32 s9, $0xF7A;
	s5 =	simm.s32 @!p2 $0x0  }
0x1d: {  	s5 =	simm.s32 @p1 $0x1;
	p0 =	seq.s32 s7, s2  }
0x1e: {  	s7 =	smul.u32 @!p0 $0xF7A, s2;
	p2 =	seq.s32 @!p0 s5, $0x0  }
0x1f: {  	s9 =	smul.u32 $0xF7A, s1;
	s8 =	simm.s32 @!p0 $0x1BF5;
	p2 =	por !p2, p0  }
0x20: {  	[sflag:s8] =	ssyncset.s32 @!p0 $0xFFFFF086;
	s6 =	sadd.s32 @!p0 s3, s7;
	s7 =	simm.s32 @!p0 $0x108  }
0x21: {  	s3 =	sadd.s32 s3, s9;
	s6 =	sadd.s32 @!p0 $0x88, s6;
	s7 =	simm.s32 @p2 $0x1082  }
0x22: {  	[simem:s7], [sflag:s8] =	dma.local @!p0 [hbm:s6], $0xF7A  }
0x23: {  	s9 =	sor.u32 $0xD0000000, s2;
	s6 =	simm.s32 $0x108;
	_ =	swait.ge @!p0 [sflag:s8], $0x0  }
0x24: {  	s3 =	sadd.s32 $0x88, s3;
	s6 =	simm.s32 @!p1 $0x1082;
	[sflag:s4] =	ssyncset.s32 $0xFFFFF086  }
0x25: {  	[simem:s6], [sflag:s4] =	dma.local [hbm:s3], $0xF7A  }
0x26: {  	[smem:$0x3F9C] =	sst s1;
	(tag) =	ssettag s2;
	_ =	strace s9  }
0x27: {  	s1 =	sld [smem:$0x3FAC]  }
0x28: {  	s2 =	sld [smem:$0x3FAD]  }
0x29: {  	s4 =	sld [smem:$0x3FAF]  }
0x2a: {  	p0 =	seq.s32 s5, $0x0;
	s5 =	sld [smem:$0x3FB0]  }
0x2b: {  	s6 =	sld [smem:$0x3FB1]  }
0x2c: {  	s7 =	sld [smem:$0x3FB2]  }
0x2d: {  	s3 =	simm.s32 $0x108;
	s8 =	sld [smem:$0x3FB3]  }
0x2e: {  	s3 =	simm.s32 @!p0 $0x1082;
	s9 =	sld [smem:$0x3FB4]  }
0x2f: {  	lr =	sadd.s32 s0, s3;
	s0 =	sld [smem:$0x3FAB]  }
0x30: {  	s3 =	sld [smem:$0x3FAE]  }
0x31: {  	[smem:$0x3FB7] =	sst s10  }
0x32: {  	s10 =	sld [smem:$0x3FB5];
	_ =	sdelay $0x3  }
0x33: {  	p0 =	seq.s32 s10, $0x1;
	s10 =	sld [smem:$0x3FB7];
	_ =	sdelay $0x3  }
0x34: {  	[smem:$0x3FB7] =	sst s10  }
0x35: {  	s10 =	sld [smem:$0x3FB6];
	_ =	sdelay $0x3  }
0x36: {  	p1 =	seq.s32 s10, $0x1;
	s10 =	sld [smem:$0x3FB7];
	_ =	sdelay $0x3  }
0x37: {  	[smem:$0x3FB7] =	sst s10  }
0x38: {  	s10 =	sld [smem:$0x3FB8]  }
0x39: {  	_ = 	snop;
	(pc) =	sbr.ind lr, $3  }
0x3a: {  	_ = 	snop  }
0x3b: {  	_ = 	snop  }
0x3c: {  	p2 =	seq.s32 s10, $0x1;
	s10 =	sld [smem:$0x3FB7]  }
0x3d: {  	_ =	shalt  }
0x3e: {  	_ =	shalt  }
0x3f: {  	_ =	shalt  }
0x40: {  	_ =	shalt  }
0x41: {  	_ =	shalt  }
0x42: {  	_ =	shalt  }
0x43: {  	_ =	shalt  }
0x44: {  	_ =	shalt  }
0x45: {  	_ =	shalt  }
0x46: {  	_ =	shalt  }
0x47: {  	_ =	shalt  }
0x48: {  	_ =	shalt  }
0x49: {  	_ =	shalt  }
0x4a: {  	_ =	shalt  }
0x4b: {  	_ =	shalt  }
0x4c: {  	_ =	shalt  }
0x4d: {  	_ =	shalt  }
0x4e: {  	_ =	shalt  }
0x4f: {  	_ =	shalt  }
0x50: {  	_ =	shalt  }
0x51: {  	_ =	shalt  }
0x52: {  	_ =	shalt  }
0x53: {  	_ =	shalt  }
0x54: {  	_ =	shalt  }
0x55: {  	_ =	shalt  }
0x56: {  	_ =	shalt  }
0x57: {  	_ =	shalt  }
0x58: {  	_ =	shalt  }
0x59: {  	_ =	shalt  }
0x5a: {  	_ =	shalt  }
0x5b: {  	_ =	shalt  }
0x5c: {  	_ =	shalt  }
0x5d: {  	_ =	shalt  }
0x5e: {  	_ =	shalt  }
0x5f: {  	_ =	shalt  }
0x60: {  	_ =	shalt  }
0x61: {  	_ =	shalt  }
0x62: {  	_ =	shalt  }
0x63: {  	_ =	shalt  }
0x64: {  	_ =	shalt  }
0x65: {  	_ =	shalt  }
0x66: {  	_ =	shalt  }
0x67: {  	_ =	shalt  }
0x68: {  	_ =	shalt  }
0x69: {  	_ =	shalt  }
0x6a: {  	_ =	shalt  }
0x6b: {  	_ =	shalt  }
0x6c: {  	_ =	shalt  }
0x6d: {  	_ =	shalt  }
0x6e: {  	_ =	shalt  }
0x6f: {  	_ =	shalt  }
0x70: {  	_ =	shalt  }
0x71: {  	_ =	shalt  }
0x72: {  	_ =	shalt  }
0x73: {  	_ =	shalt  }
0x74: {  	_ =	shalt  }
0x75: {  	_ =	shalt  }
0x76: {  	_ =	shalt  }
0x77: {  	_ =	shalt  }
0x78: {  	_ =	shalt  }
0x79: {  	_ =	shalt  }
0x7a: {  	_ =	shalt  }
0x7b: {  	_ =	shalt  }
0x7c: {  	_ =	shalt  }
0x7d: {  	_ =	shalt  }
0x7e: {  	_ =	shalt  }
0x7f: {  	_ =	shalt  }
0x80: {  	_ =	shalt  }
0x81: {  	_ =	shalt  }
0x82: {  	_ =	shalt  }
0x83: {  	_ =	shalt  }
0x84: {  	_ =	shalt  }
0x85: {  	_ =	shalt  }
0x86: {  	_ =	shalt  }
0x87: {  	_ =	shalt  }
.Lfunc_end0:
.L_simem_size_0:
called_computation_lowered:
.L_overlay_start_0:
0x88: {  	s2 =	sld [smem:$0x3FD9]  }
0x89: {  	s3 =	sld [smem:$0x3FFE];
	_ =	sdelay $0x1  }
0x8a: {  	s1 =	srdreg.scid  }
0x8b: {  	s0 =	sand.u32 $0x1, s1  }
0x8c: {  	s17 =	sshll.u32 s0, $0xA;
	s2 =	sadd.s32 s3, s2  }
0x8d: {  	s2 =	sadd.s32 s2, s17  }
0x8e: {  	[smem:$0x3FC3] =	sst s2  }
0x8f: {  	_ = 	snop  }
0x90: {  	s18 =	sld [smem:$0x3FC9]  }
0x91: {  	s4 =	sld [smem:$0x3FD0];
	(tm) =	ssettm $0x1  }
0x92: {  	s19 =	sld [smem:$0x3FFB];
	_ =	sdelay $0x3  }
0x93: {  	_ =	strace s19  }
0x94: {  	s2 =	sld [smem:$0x3FFC];
	_ =	sdelay $0x3  }
0x95: {  	_ =	strace s2  }
0x96: {  	s2 =	sld [smem:$0x3FFD];
	_ =	sdelay $0x3  }
0x97: {  	_ =	strace s2  }
0x98: {  	_ =	strace $0x8FFFFFFF  }
0x99: {  	s20 =	sld [smem:$0x3FDB];
	_ =	sdelay $0x1  }
0x9a: {  	s5 =	simm.s32 $_scs_section_size  }
0x9b: {  	s6 =	simm.s32 $_size__tile_overlayer_lowered;
	s7 =	simm.s32 $_tile_overlayer_lowered  }
0x9c: {  	s8 =	simm.s32 $0x1BFF;
	s21 =	sshll.u32 s7, $0x1;
	s5 =	sadd.s32 s5, s20  }
0x9d: {  	s22 =	simm.s32 $0x0;
	s6 =	sshll.u32 s6, $0x1;
	s7 =	sadd.s32 s21, s5  }
0x9e: {  	[timem:s22], [sflag:s8] =	dma.local [hbm:s7], s6  }
0x9f: {  	_ =	swait.ge [sflag:s8], s6  }
0xa0: {  	s6 =	ssub.s32 $0x0, s6;
	[sflag:s8] =	ssyncset.done $0x0  }
0xa1: {  	[sflag:s8] =	ssyncadd.s32 s6;
	_ =	sdelay $0x1  }
0xa2: {  	s23 =	simm.s32 $0x1B8B  }
0xa3: {  	_ =	swait.ge [sflag:s23], $0x1  }
0xa4: {  	[sflag:s23] =	ssyncset.done $0x0  }
0xa5: {  	[sflag:s23] =	ssyncadd.s32 $0xFFFFFFFF  }
0xa6: {  	s6 =	sld [smem:$0x0]  }
0xa7: {  	s7 =	sand.u32 $0xFFFFFFFE, s1  }
0xa8: {  	p0 =	sne.s32 s1, s7  }
0xa9: {  	s7 =	sshll.u32 @p0 s7, $0xE  }
0xaa: {  	s7 =	sadd.s32 @p0 $0x11B8D, s7;
	s8 =	sshll.u32 @p0 s6, $0x11  }
0xab: {  	s7 =	sor.u32 @p0 s8, s7  }
0xac: {  	[sflag:s7] =	ssyncadd.remote.s32 @p0 $0x1;
	_ =	sdelay $0x1  }
0xad: {  	s7 =	simm.s32 @p0 $0x1B8D  }
0xae: {  	_ =	swait.eq @p0 [sflag:s7], $0x1  }
0xaf: {  	[sflag:s7] =	ssyncadd.s32 @p0 $0xFFFFFFFF  }
0xb0: {  	s8 =	sshll.u32 @!p0 s1, $0xE  }
0xb1: {  	s8 =	sor.u32 @!p0 $0x4000, s8;
	s7 =	simm.s32 @!p0 $0x1B8D  }
0xb2: {  	s6 =	sshll.u32 @!p0 s6, $0x11;
	s8 =	sadd.s32 @!p0 $0x11B8D, s8;
	_ =	swait.eq @!p0 [sflag:s7], $0x1  }
0xb3: {  	s6 =	sor.u32 @!p0 s6, s8;
	[sflag:s7] =	ssyncadd.s32 @!p0 $0xFFFFFFFF  }
0xb4: {  	s25 =	simm.s32 $0x1B8E;
	s24 =	sld [smem:$0x3FFE];
	[sflag:s6] =	ssyncadd.remote.s32 @!p0 $0x1  }
0xb5: {  	s26 =	simm.s32 $execute0_lowered;
	[smem:$0x3FD2] =	sst s25  }
0xb6: {  	s7 =	sshll.u32 s26, $0x1;
	_ =	strace $0x80000049;
	[dreg:$0x1] =	wrdreg $0xFFFFFFFF  }
0xb7: {  	s28 =	simm.s32 $_size_execute0_lowered;
	s5 =	sadd.s32 s5, s7;
	[dreg:$0x0] =	wrdreg $0x0  }
0xb8: {  	s7 =	sshll.u32 s28, $0x1;
	[dreg:$0x2] =	wrdreg s5  }
0xb9: {  	[dreg:$0x3] =	wrdreg s7  }
0xba: {  	[dreg:$0x4] =	wrdreg $0xC0  }
0xbb: {  	_ =	task [dreg:s22], $0x5FFFF  }
0xbc: {  	[dreg:$0x1] =	wrdreg $0xFFFFFFFF  }
0xbd: {  	[dreg:$0x0] =	wrdreg $0x60  }
0xbe: {  	[dreg:$0x2] =	wrdreg s18  }
0xbf: {  	[dreg:$0x3] =	wrdreg s4  }
0xc0: {  	[dreg:$0x4] =	wrdreg s24  }
0xc1: {  	[dreg:$0x5] =	wrdreg $0x81000  }
0xc2: {  	[dreg:$0x6] =	wrdreg $0x9  }
0xc3: {  	_ =	task.clear_ibuf [dreg:s22], $0x7FFFF;
	_ =	strace $0x90000049  }
0xc4: {  	s29 =	simm.s32 $0x9;
	_ =	strace $0x8000004B  }
0xc5: {  	_ =	swait.ge [sflag:s29], $0x1  }
0xc6: {  	[sflag:s29] =	ssyncadd.s32 $0xFFFFFFFF  }
0xc7: {  	_ =	strace $0x9000004B  }
0xc8: {  	_ =	sfence  }
0xc9: {  	s30 =	sld [smem:$0x0];
	_ =	sdelay $0x2  }
0xca: {  	s31 =	sshll.u32 s1, $0xD;
	s1 =	sshrl.u32 s1, $0x2  }
0xcb: {  	s4 =	sand.u32 $0x4000, s31;
	s1 =	sadd.s32 s1, s30  }
0xcc: {  	s0 =	sor.u32 s4, s0;
	s1 =	sshll.u32 s1, $0x11  }
0xcd: {  	s0 =	sor.u32 s1, s0  }
0xce: {  	s0 =	sadd.s32 $0x8F2B, s0  }
0xcf: {  	[sflag:s0] =	ssyncadd.remote.s32 $0x1  }
0xd0: {  	_ =	sfence.sel $0xFFFF  }
0xd1: {  	[dreg:$0x0] =	wrdreg $0xFFFFFFFF;
	(pc) =	sbr.abs _section_cstart, $3  }
0xd2: {  	[dreg:$0x1] =	wrdreg $0xFFFFFFFF  }
0xd3: {  	_ =	task.clear_ibuf [dreg:s22], $0x2FFFF;
	_ =	strace $0x9FFFFFFF  }
0xd4: {  	(tm) =	ssettm $0x7FFFFFFF  }
0xd5: {  	_ =	shalt  }
tec
execute0_lowered:
.L_overlay_start_1:
0x0: {  	(tag) =	ssettag $0x1  }
0x1: {  	s1 =	rddreg [dreg:$0x0]  }
0x2: {  	s15 =	rddreg [dreg:$0x1]  }
0x3: {  	s5 =	rddreg [dreg:$0x2]  }
0x4: {  	s3 =	rddreg [dreg:$0x3]  }
0x5: {  	s0 =	rddreg [dreg:$0x4];
	s2 =	stileid.u32  }
0x6: {  	s4 =	simm.s32 $0x0;
	s6 =	srdreg.scid;
	s16 =	smul.u32 $0x9E0, s2  }
0x7: {  	s23 =	simm.s32 $0x0;
	[smem:$0x7FF] =	sst s4;
	s25 =	smul.u32 $0x50000, s2  }
0x8: {  	s12 =	sand.u32 $0x1, s6;
	s9 =	smul.u32 $0x14000, s2;
	s14 =	sadd.s32 $0x5AE00, s5  }
0x9: {  	_ =	strace $0x8000004A;
	s7 =	ssub.s32 $0x2, s12;
	s13 =	smul.u32 $0x140000, s12  }
0xa: {  	s30 =	smul.u32 $0x4F0, s12;
	s17 =	sadd.s32 s16, s5;
	s8 =	sshrl.u32 s7, $0x1  }
0xb: {  	s6 =	sshrl.u32 s25, $0x2;
	s10 =	sadd.s32 $0x4000, s9;
	s11 =	sadd.s32 $0x8000, s9  }
0xc: {  	s19 =	sadd.s32 $0xC000, s9;
	s20 =	sadd.s32 $0x10000, s9;
	s16 =	sadd.s32 s16, s15  }
0xd: {  	s18 =	ssub.s32 s7, s8;
	s5 =	sadd.s32 s6, s3;
	s6 =	sadd.s32 s10, s3  }
0xe: {  	s7 =	sadd.s32 s11, s3;
	s8 =	sadd.s32 s19, s3;
	s21 =	sadd.s32 s9, s13  }
0xf: {  	s9 =	sadd.s32 s20, s3;
	s22 =	sadd.s32 s13, s10;
	s28 =	sadd.s32 s13, s11  }
0x10: {  	s19 =	sadd.s32 s13, s19;
	s20 =	sadd.s32 s13, s20;
	s17 =	sadd.s32 s30, s17  }
0x11: {  	s16 =	sadd.s32 s30, s16;
	s21 =	sshrl.u32 s21, $0x3;
	s26 =	sshrl.u32 s22, $0x3  }
0x12: {  	s29 =	sshrl.u32 s28, $0x3;
	s19 =	sshrl.u32 s19, $0x3;
	s31 =	sshrl.u32 s20, $0x3  }
0x13: {  	s15 =	smax.u32 s18, $0x1;
	s17 =	sadd.s32 $0x1000, s17;
	s18 =	simm.s32 $0x100  }
0x14: {  	s20 =	simm.s32 $0x80;
	s22 =	simm.s32 $0x1;
	s10 =	sadd.s32 s14, s21  }
0x15: {  	s11 =	sadd.s32 s14, s26;
	s12 =	sadd.s32 s14, s29;
	s13 =	sadd.s32 s14, s19  }
0x16: {  	v0 =	vimm.f32 $0.0e+00;
	s14 =	sadd.s32 s14, s31;
	s19 =	simm.s32 $0x2;
	s21 =	simm.s32 $0x4100  }
.LBB2_1:
0x17: {  	s24 =	simm.s32 $0x0;
	s25 =	simm.s32 $0x200  }
.LBB2_2:
0x18: {  	p0 =	sne.s32 s25, $0xFE00;
	[tilespmem:s24+$0x170] =	vst v0  }
0x19: {  	[tilespmem:s24+$0x100] =	vst v0  }
0x1a: {  	[tilespmem:s24+$0x110] =	vst v0  }
.Ltmp0:
0x1b: {  	[tilespmem:s24+$0x120] =	vst v0;
	(pc) =	sbr.rel @p0 .LBB2_2-.Ltmp0, $4  }
0x1c: {  	[tilespmem:s24+$0x130] =	vst v0  }
0x1d: {  	[tilespmem:s24+$0x140] =	vst v0  }
0x1e: {  	[tilespmem:s24+$0x150] =	vst v0  }
0x1f: {  	[tilespmem:s24+$0x160] =	vst v0;
	s24 =	sshra.s32 s25, $0x2;
	s25 =	sadd.s32 $0x200, s25  }
0x20: {  	[tilespmem:s24+$0x170] =	vst v0  }
0x21: {  	[tilespmem:s24+$0x100] =	vst v0  }
0x22: {  	[tilespmem:s24+$0x110] =	vst v0  }
0x23: {  	[tilespmem:s24+$0x120] =	vst v0  }
0x24: {  	[tilespmem:s24+$0x130] =	vst v0  }
0x25: {  	[tilespmem:s24+$0x140] =	vst v0  }
0x26: {  	[tilespmem:s24+$0x150] =	vst v0  }
0x27: {  	[tilespmem:s24+$0x160] =	vst v0  }
0x28: {  	[spmem:s5] =	stream.linear.scatter [tilespmem:s18], [sflag:$0x2], $0x4000, $0x38;
	[tilespmem:$0x1C100] =	vst v63  }
0x29: {  	_ =	swait.ge [sflag:s19], $0x4000  }
0x2a: {  	[sflag:s19] =	ssyncset.done $0x0  }
0x2b: {  	[sflag:s19] =	ssyncadd.s32 $0xFFFFC000  }
0x2c: {  	[spmem:s6] =	stream.linear.scatter [tilespmem:s18], [sflag:$0x2], $0x4000, $0x38;
	[tilespmem:$0x1C100] =	vst v63  }
0x2d: {  	_ =	swait.ge [sflag:s19], $0x4000  }
0x2e: {  	[sflag:s19] =	ssyncset.done $0x0  }
0x2f: {  	[sflag:s19] =	ssyncadd.s32 $0xFFFFC000  }
0x30: {  	[spmem:s7] =	stream.linear.scatter [tilespmem:s18], [sflag:$0x2], $0x4000, $0x38;
	[tilespmem:$0x1C100] =	vst v63  }
0x31: {  	_ =	swait.ge [sflag:s19], $0x4000  }
0x32: {  	[sflag:s19] =	ssyncset.done $0x0  }
0x33: {  	[sflag:s19] =	ssyncadd.s32 $0xFFFFC000  }
0x34: {  	[spmem:s8] =	stream.linear.scatter [tilespmem:s18], [sflag:$0x2], $0x4000, $0x38;
	[tilespmem:$0x1C100] =	vst v63  }
0x35: {  	_ =	swait.ge [sflag:s19], $0x4000  }
0x36: {  	[sflag:s19] =	ssyncset.done $0x0  }
0x37: {  	[sflag:s19] =	ssyncadd.s32 $0xFFFFC000  }
0x38: {  	[spmem:s9] =	stream.linear.scatter [tilespmem:s18], [sflag:$0x2], $0x4000, $0x38;
	[tilespmem:$0x1C100] =	vst v63  }
0x39: {  	_ =	swait.ge [sflag:s19], $0x4000  }
0x3a: {  	[sflag:s19] =	ssyncset.done $0x0  }
0x3b: {  	[sflag:s19] =	ssyncadd.s32 $0xFFFFC000  }
0x3c: {  	s30 =	sadd.s32 $0x0, s17;
	[bflag:$0x0] =	sbarrier.arrive $0xFFFF  }
0x3d: {  	[tilespmem:s20], [sflag:$0x2] =	stream.linear.gather [hbm4b:s30+s4], $0x80, $0x38;
	[tilespmem:$0x1C100] =	vst v63  }
0x3e: {  	_ =	swait.ge [sflag:s19], $0x80  }
0x3f: {  	[sflag:s19] =	ssyncset.done $0x0  }
0x40: {  	s31 =	sadd.s32 $0x0, s16;
	[sflag:s19] =	ssyncadd.s32 $0xFFFFFF80  }
0x41: {  	[tilespmem:s4], [sflag:$0x2] =	stream.linear.gather [hbm4b:s31+s4], $0x80, $0x38;
	[tilespmem:$0x1C100] =	vst v63  }
0x42: {  	_ =	swait.ge [sflag:s19], $0x80  }
0x43: {  	[sflag:s19] =	ssyncset.done $0x0  }
0x44: {  	[sflag:s19] =	ssyncadd.s32 $0xFFFFFF80  }
0x45: {  	[tilespmem:s21], [sflag:$0x1] =	stream.indirect.gather [hbm4b:s1+s20], $0x80, s4, s20, $0xb8;
	[tilespmem:$0x1C100] =	vst v63  }
0x46: {  	_ =	swait.ge [sflag:s22], $0x4000  }
0x47: {  	[sflag:s22] =	ssyncset.done $0x0  }
0x48: {  	[sflag:s22] =	ssyncadd.s32 $0xFFFFC000  }
0x49: {  	[spmem:s3] =	stream.indirect.scatter.add.f32 [tilespmem:s21], [sflag:$0x2], $0x80, s20, s20, $0xb8;
	[tilespmem:$0x1C100] =	vst v63  }
0x4a: {  	_ =	swait.ge [sflag:s19], $0x4000  }
0x4b: {  	s24 =	simm.s32 $0x10;
	s25 =	simm.s32 $0x20;
	[sflag:s19] =	ssyncset.done $0x0  }
.LBB2_4:
0x4c: {  	s26 =	sadd.s32 s24, s17  }
0x4d: {  	[sflag:s19] =	ssyncadd.s32 $0xFFFFC000;
	s28 =	smov.u32 s25;
	s29 =	sadd.s32 $0x10, s25  }
0x4e: {  	[tilespmem:s20], [sflag:$0x2] =	stream.linear.gather [hbm4b:s26+s4], $0x80, $0x38;
	[tilespmem:$0x1C100] =	vst v63  }
0x4f: {  	p0 =	sne.s32 s25, $0x4E0;
	_ =	swait.ge [sflag:s19], $0x80  }
0x50: {  	[sflag:s19] =	ssyncset.done $0x0  }
0x51: {  	s25 =	sadd.s32 s24, s16;
	s24 =	smov.u32 s28;
	[sflag:s19] =	ssyncadd.s32 $0xFFFFFF80  }
0x52: {  	[tilespmem:s4], [sflag:$0x2] =	stream.linear.gather [hbm4b:s25+s4], $0x80, $0x38;
	[tilespmem:$0x1C100] =	vst v63  }
0x53: {  	_ =	swait.ge [sflag:s19], $0x80  }
0x54: {  	[sflag:s19] =	ssyncset.done $0x0  }
0x55: {  	[sflag:s19] =	ssyncadd.s32 $0xFFFFFF80  }
0x56: {  	[tilespmem:s21], [sflag:$0x1] =	stream.indirect.gather [hbm4b:s1+s20], $0x80, s4, s20, $0xb8;
	[tilespmem:$0x1C100] =	vst v63  }
0x57: {  	_ =	swait.ge [sflag:s22], $0x4000  }
.Ltmp1:
0x58: {  	[sflag:s22] =	ssyncset.done $0x0;
	(pc) =	sbr.rel @p0 .LBB2_4-.Ltmp1, $4  }
0x59: {  	[sflag:s22] =	ssyncadd.s32 $0xFFFFC000  }
0x5a: {  	[spmem:s3] =	stream.indirect.scatter.add.f32 [tilespmem:s21], [sflag:$0x2], $0x80, s20, s20, $0xb8;
	[tilespmem:$0x1C100] =	vst v63  }
0x5b: {  	_ =	swait.ge [sflag:s19], $0x4000  }
0x5c: {  	s25 =	smov.u32 s29;
	[sflag:s19] =	ssyncset.done $0x0  }
0x5d: {  	s25 =	sadd.s32 s24, s17;
	[sflag:s19] =	ssyncadd.s32 $0xFFFFC000  }
0x5e: {  	[tilespmem:s20], [sflag:$0x2] =	stream.linear.gather [hbm4b:s25+s4], $0x80, $0x38;
	[tilespmem:$0x1C100] =	vst v63  }
0x5f: {  	_ =	swait.ge [sflag:s19], $0x80  }
0x60: {  	[sflag:s19] =	ssyncset.done $0x0  }
0x61: {  	s31 =	sadd.s32 s24, s16;
	[sflag:s19] =	ssyncadd.s32 $0xFFFFFF80  }
0x62: {  	[tilespmem:s4], [sflag:$0x2] =	stream.linear.gather [hbm4b:s31+s4], $0x80, $0x38;
	[tilespmem:$0x1C100] =	vst v63  }
0x63: {  	_ =	swait.ge [sflag:s19], $0x80  }
0x64: {  	[sflag:s19] =	ssyncset.done $0x0  }
0x65: {  	[sflag:s19] =	ssyncadd.s32 $0xFFFFFF80  }
0x66: {  	[tilespmem:s21], [sflag:$0x1] =	stream.indirect.gather [hbm4b:s1+s20], $0x80, s4, s20, $0xb8;
	[tilespmem:$0x1C100] =	vst v63  }
0x67: {  	_ =	swait.ge [sflag:s22], $0x4000  }
0x68: {  	[sflag:s22] =	ssyncset.done $0x0  }
0x69: {  	[sflag:s22] =	ssyncadd.s32 $0xFFFFC000  }
0x6a: {  	[spmem:s3] =	stream.indirect.scatter.add.f32 [tilespmem:s21], [sflag:$0x2], $0x80, s20, s20, $0xb8;
	[tilespmem:$0x1C100] =	vst v63  }
0x6b: {  	_ =	swait.ge [sflag:s19], $0x4000  }
0x6c: {  	[sflag:s19] =	ssyncset.done $0x0  }
0x6d: {  	[sflag:s19] =	ssyncadd.s32 $0xFFFFC000  }
0x6e: {  	[bflag:$0x0] =	sbarrier.arrive $0xFFFF  }
0x6f: {  	[tilespmem:s18], [sflag:$0x2] =	stream.linear.gather [spmem:s5], $0x4000, $0x38;
	[tilespmem:$0x1C100] =	vst v63  }
0x70: {  	_ =	swait.ge [sflag:s19], $0x4000  }
0x71: {  	[sflag:s19] =	ssyncset.done $0x0  }
0x72: {  	[sflag:s19] =	ssyncadd.s32 $0xFFFFC000  }
0x73: {  	[hbm4b:s10+s4] =	stream.linear.scatter [tilespmem:s18], [sflag:$0x2], $0x4000, $0x38;
	[tilespmem:$0x1C100] =	vst v63  }
0x74: {  	_ =	swait.ge [sflag:s19], $0x4000  }
0x75: {  	[sflag:s19] =	ssyncset.done $0x0  }
0x76: {  	[sflag:s19] =	ssyncadd.s32 $0xFFFFC000  }
0x77: {  	[tilespmem:s18], [sflag:$0x2] =	stream.linear.gather [spmem:s6], $0x4000, $0x38;
	[tilespmem:$0x1C100] =	vst v63  }
0x78: {  	_ =	swait.ge [sflag:s19], $0x4000  }
0x79: {  	[sflag:s19] =	ssyncset.done $0x0  }
0x7a: {  	[sflag:s19] =	ssyncadd.s32 $0xFFFFC000  }
0x7b: {  	[hbm4b:s11+s4] =	stream.linear.scatter [tilespmem:s18], [sflag:$0x2], $0x4000, $0x38;
	[tilespmem:$0x1C100] =	vst v63  }
0x7c: {  	_ =	swait.ge [sflag:s19], $0x4000  }
0x7d: {  	[sflag:s19] =	ssyncset.done $0x0  }
0x7e: {  	[sflag:s19] =	ssyncadd.s32 $0xFFFFC000  }
0x7f: {  	[tilespmem:s18], [sflag:$0x2] =	stream.linear.gather [spmem:s7], $0x4000, $0x38;
	[tilespmem:$0x1C100] =	vst v63  }
0x80: {  	_ =	swait.ge [sflag:s19], $0x4000  }
0x81: {  	[sflag:s19] =	ssyncset.done $0x0  }
0x82: {  	[sflag:s19] =	ssyncadd.s32 $0xFFFFC000  }
0x83: {  	[hbm4b:s12+s4] =	stream.linear.scatter [tilespmem:s18], [sflag:$0x2], $0x4000, $0x38;
	[tilespmem:$0x1C100] =	vst v63  }
0x84: {  	_ =	swait.ge [sflag:s19], $0x4000  }
0x85: {  	[sflag:s19] =	ssyncset.done $0x0  }
0x86: {  	[sflag:s19] =	ssyncadd.s32 $0xFFFFC000  }
0x87: {  	[tilespmem:s18], [sflag:$0x2] =	stream.linear.gather [spmem:s8], $0x4000, $0x38;
	[tilespmem:$0x1C100] =	vst v63  }
0x88: {  	_ =	swait.ge [sflag:s19], $0x4000  }
0x89: {  	[sflag:s19] =	ssyncset.done $0x0  }
0x8a: {  	[sflag:s19] =	ssyncadd.s32 $0xFFFFC000  }
0x8b: {  	[hbm4b:s13+s4] =	stream.linear.scatter [tilespmem:s18], [sflag:$0x2], $0x4000, $0x38;
	[tilespmem:$0x1C100] =	vst v63  }
0x8c: {  	_ =	swait.ge [sflag:s19], $0x4000  }
0x8d: {  	[sflag:s19] =	ssyncset.done $0x0  }
0x8e: {  	[sflag:s19] =	ssyncadd.s32 $0xFFFFC000  }
0x8f: {  	[tilespmem:s18], [sflag:$0x2] =	stream.linear.gather [spmem:s9], $0x4000, $0x38;
	[tilespmem:$0x1C100] =	vst v63  }
0x90: {  	s23 =	sadd.s32 $0x1, s23;
	_ =	swait.ge [sflag:s19], $0x4000  }
0x91: {  	p0 =	sne.s32 s23, s15;
	[sflag:s19] =	ssyncset.done $0x0  }
.Ltmp2:
0x92: {  	[sflag:s19] =	ssyncadd.s32 $0xFFFFC000;
	(pc) =	sbr.rel @p0 .LBB2_1-.Ltmp2, $4  }
0x93: {  	[hbm4b:s14+s4] =	stream.linear.scatter [tilespmem:s18], [sflag:$0x2], $0x4000, $0x38;
	[tilespmem:$0x1C100] =	vst v63  }
0x94: {  	_ =	swait.ge [sflag:s19], $0x4000  }
0x95: {  	[sflag:s19] =	ssyncset.done $0x0  }
0x96: {  	[sflag:s19] =	ssyncadd.s32 $0xFFFFC000  }
0x97: {  	_ =	sfence.sel $0x180000  }
0x98: {  	[bflag:$0x0] =	sbarrier.arrive $0xFFFF  }
0x99: {  	p0 =	sne.s32 s2, $0x0;
	_ =	strace $0x9000004A  }
0x9a: {  	s0 =	sadd.s32 @!p0 $0x100000, s0;
	[bflag:$0x2] =	sbarrier.arrive $0xFFFF  }
0x9b: {  	[sflag:s0] =	ssyncadd.tile.s32 @!p0 $0x1;
	_ =	shalt  }
.Lfunc_end2:
_tile_overlayer_lowered:
.L_overlay_start_2:
0x9c: {  	(tag) =	ssettag $0x2  }
0x9d: {  	s0 =	rddreg [dreg:$0x0];
	s2 =	stileid.u32  }
0x9e: {  	s1 =	rddreg [dreg:$0x1];
	p0 =	sne.s32 s2, $0x0  }
0x9f: {  	s3 =	rddreg [dreg:$0x2];
	[bflag:$0x3] =	sbarrier.arrive $0xFFFF;
	s2 =	simm.s32 @!p0 $0x1C02  }
0xa0: {  	[timem:s3], [sflag:s2] =	dma.local @!p0 [hbm:s0], s1  }
0xa1: {  	s0 =	simm.s32 @!p0 $0x2  }
0xa2: {  	_ =	swait.ge @!p0 [sflag:s0], s1  }
0xa3: {  	s1 =	ssub.s32 @!p0 $0x0, s1;
	[sflag:s0] =	ssyncset.done @!p0 $0x0  }
0xa4: {  	[sflag:s0] =	ssyncadd.s32 @!p0 s1  }
0xa5: {  	[bflag:$0x3] =	sbarrier.arrive $0xFFFF  }
0xa6: {  	_ =	shalt  }

// kernel: kernel.8.cloned.1.call-start
scs
__scs_entry_jumppad:
0x0: {  	(pc) =	sbr.rel $0x88, $3  }
0x1: {  	(tag) =	ssettag $0x0;
	lr =	simm.s32 $0x1  }
0x2: {  	[smem:$0x3F9C] =	sst lr;
	_ =	strace $0xD0000000  }
0x3: {  	_ = 	snop  }
0x4: {  	_ = 	snop  }
0x5: {  	_ = 	snop  }
0x6: {  	_ = 	snop  }
0x7: {  	_ = 	snop  }
__scs_overlays_trampoline_lowered:
0x8: {  	[smem:$0x3FAB] =	sst s0  }
0x9: {  	[smem:$0x3FAC] =	sst s1  }
0xa: {  	[smem:$0x3FAD] =	sst s2  }
0xb: {  	[smem:$0x3FAE] =	sst s3  }
0xc: {  	[smem:$0x3FAF] =	sst s4  }
0xd: {  	[smem:$0x3FB0] =	sst s5  }
0xe: {  	[smem:$0x3FB1] =	sst s6  }
0xf: {  	[smem:$0x3FB2] =	sst s7  }
0x10: {  	[smem:$0x3FB3] =	sst s8  }
0x11: {  	[smem:$0x3FB4] =	sst s9;
	s0 =	simm.s32 @!p0 $0x0  }
0x12: {  	s1 =	sld [smem:$0x3F9A];
	s0 =	simm.s32 @p0 $0x1  }
0x13: {  	[smem:$0x3FB5] =	sst s0;
	s0 =	simm.s32 @!p1 $0x0  }
0x14: {  	s2 =	sld [smem:$0x3F99];
	s0 =	simm.s32 @p1 $0x1  }
0x15: {  	[smem:$0x3FB6] =	sst s0;
	s0 =	simm.s32 @!p2 $0x0  }
0x16: {  	s3 =	sld [smem:$0x3FDB];
	s0 =	simm.s32 @p2 $0x1  }
0x17: {  	s4 =	simm.s32 $0x1BF5;
	[smem:$0x3FB8] =	sst s0  }
0x18: {  	s0 =	sld [smem:$0x3F9B];
	_ =	swait.ge [sflag:s4], $0x0  }
0x19: {  	s7 =	sld [smem:$0x3F9C]  }
0x1a: {  	s8 =	sadd.s32 $0xFFFFE003, lr  }
0x1b: {  	s9 =	sadd.s32 $0xFFFFFEF7, lr;
	s5 =	simm.s32 $0xFFFFFFFF;
	p2 =	slt.u32 s8, $0xFFFFF086  }
0x1c: {  	p1 =	slt.u32 s9, $0xF7A;
	s5 =	simm.s32 @!p2 $0x0  }
0x1d: {  	s5 =	simm.s32 @p1 $0x1;
	p0 =	seq.s32 s7, s2  }
0x1e: {  	s7 =	smul.u32 @!p0 $0xF7A, s2;
	p2 =	seq.s32 @!p0 s5, $0x0  }
0x1f: {  	s9 =	smul.u32 $0xF7A, s1;
	s8 =	simm.s32 @!p0 $0x1BF5;
	p2 =	por !p2, p0  }
0x20: {  	[sflag:s8] =	ssyncset.s32 @!p0 $0xFFFFF086;
	s6 =	sadd.s32 @!p0 s3, s7;
	s7 =	simm.s32 @!p0 $0x108  }
0x21: {  	s3 =	sadd.s32 s3, s9;
	s6 =	sadd.s32 @!p0 $0x88, s6;
	s7 =	simm.s32 @p2 $0x1082  }
0x22: {  	[simem:s7], [sflag:s8] =	dma.local @!p0 [hbm:s6], $0xF7A  }
0x23: {  	s9 =	sor.u32 $0xD0000000, s2;
	s6 =	simm.s32 $0x108;
	_ =	swait.ge @!p0 [sflag:s8], $0x0  }
0x24: {  	s3 =	sadd.s32 $0x88, s3;
	s6 =	simm.s32 @!p1 $0x1082;
	[sflag:s4] =	ssyncset.s32 $0xFFFFF086  }
0x25: {  	[simem:s6], [sflag:s4] =	dma.local [hbm:s3], $0xF7A  }
0x26: {  	[smem:$0x3F9C] =	sst s1;
	(tag) =	ssettag s2;
	_ =	strace s9  }
0x27: {  	s1 =	sld [smem:$0x3FAC]  }
0x28: {  	s2 =	sld [smem:$0x3FAD]  }
0x29: {  	s4 =	sld [smem:$0x3FAF]  }
0x2a: {  	p0 =	seq.s32 s5, $0x0;
	s5 =	sld [smem:$0x3FB0]  }
0x2b: {  	s6 =	sld [smem:$0x3FB1]  }
0x2c: {  	s7 =	sld [smem:$0x3FB2]  }
0x2d: {  	s3 =	simm.s32 $0x108;
	s8 =	sld [smem:$0x3FB3]  }
0x2e: {  	s3 =	simm.s32 @!p0 $0x1082;
	s9 =	sld [smem:$0x3FB4]  }
0x2f: {  	lr =	sadd.s32 s0, s3;
	s0 =	sld [smem:$0x3FAB]  }
0x30: {  	s3 =	sld [smem:$0x3FAE]  }
0x31: {  	[smem:$0x3FB7] =	sst s10  }
0x32: {  	s10 =	sld [smem:$0x3FB5];
	_ =	sdelay $0x3  }
0x33: {  	p0 =	seq.s32 s10, $0x1;
	s10 =	sld [smem:$0x3FB7];
	_ =	sdelay $0x3  }
0x34: {  	[smem:$0x3FB7] =	sst s10  }
0x35: {  	s10 =	sld [smem:$0x3FB6];
	_ =	sdelay $0x3  }
0x36: {  	p1 =	seq.s32 s10, $0x1;
	s10 =	sld [smem:$0x3FB7];
	_ =	sdelay $0x3  }
0x37: {  	[smem:$0x3FB7] =	sst s10  }
0x38: {  	s10 =	sld [smem:$0x3FB8]  }
0x39: {  	_ = 	snop;
	(pc) =	sbr.ind lr, $3  }
0x3a: {  	_ = 	snop  }
0x3b: {  	_ = 	snop  }
0x3c: {  	p2 =	seq.s32 s10, $0x1;
	s10 =	sld [smem:$0x3FB7]  }
0x3d: {  	_ =	shalt  }
0x3e: {  	_ =	shalt  }
0x3f: {  	_ =	shalt  }
0x40: {  	_ =	shalt  }
0x41: {  	_ =	shalt  }
0x42: {  	_ =	shalt  }
0x43: {  	_ =	shalt  }
0x44: {  	_ =	shalt  }
0x45: {  	_ =	shalt  }
0x46: {  	_ =	shalt  }
0x47: {  	_ =	shalt  }
0x48: {  	_ =	shalt  }
0x49: {  	_ =	shalt  }
0x4a: {  	_ =	shalt  }
0x4b: {  	_ =	shalt  }
0x4c: {  	_ =	shalt  }
0x4d: {  	_ =	shalt  }
0x4e: {  	_ =	shalt  }
0x4f: {  	_ =	shalt  }
0x50: {  	_ =	shalt  }
0x51: {  	_ =	shalt  }
0x52: {  	_ =	shalt  }
0x53: {  	_ =	shalt  }
0x54: {  	_ =	shalt  }
0x55: {  	_ =	shalt  }
0x56: {  	_ =	shalt  }
0x57: {  	_ =	shalt  }
0x58: {  	_ =	shalt  }
0x59: {  	_ =	shalt  }
0x5a: {  	_ =	shalt  }
0x5b: {  	_ =	shalt  }
0x5c: {  	_ =	shalt  }
0x5d: {  	_ =	shalt  }
0x5e: {  	_ =	shalt  }
0x5f: {  	_ =	shalt  }
0x60: {  	_ =	shalt  }
0x61: {  	_ =	shalt  }
0x62: {  	_ =	shalt  }
0x63: {  	_ =	shalt  }
0x64: {  	_ =	shalt  }
0x65: {  	_ =	shalt  }
0x66: {  	_ =	shalt  }
0x67: {  	_ =	shalt  }
0x68: {  	_ =	shalt  }
0x69: {  	_ =	shalt  }
0x6a: {  	_ =	shalt  }
0x6b: {  	_ =	shalt  }
0x6c: {  	_ =	shalt  }
0x6d: {  	_ =	shalt  }
0x6e: {  	_ =	shalt  }
0x6f: {  	_ =	shalt  }
0x70: {  	_ =	shalt  }
0x71: {  	_ =	shalt  }
0x72: {  	_ =	shalt  }
0x73: {  	_ =	shalt  }
0x74: {  	_ =	shalt  }
0x75: {  	_ =	shalt  }
0x76: {  	_ =	shalt  }
0x77: {  	_ =	shalt  }
0x78: {  	_ =	shalt  }
0x79: {  	_ =	shalt  }
0x7a: {  	_ =	shalt  }
0x7b: {  	_ =	shalt  }
0x7c: {  	_ =	shalt  }
0x7d: {  	_ =	shalt  }
0x7e: {  	_ =	shalt  }
0x7f: {  	_ =	shalt  }
0x80: {  	_ =	shalt  }
0x81: {  	_ =	shalt  }
0x82: {  	_ =	shalt  }
0x83: {  	_ =	shalt  }
0x84: {  	_ =	shalt  }
0x85: {  	_ =	shalt  }
0x86: {  	_ =	shalt  }
0x87: {  	_ =	shalt  }
.Lfunc_end0:
.L_simem_size_0:
called_computation.1_lowered:
.L_overlay_start_0:
0x88: {  	s2 =	sld [smem:$0x3FD9]  }
0x89: {  	s3 =	sld [smem:$0x3FFE];
	_ =	sdelay $0x1  }
0x8a: {  	s1 =	srdreg.scid  }
0x8b: {  	s0 =	sand.u32 $0x1, s1  }
0x8c: {  	s16 =	sshll.u32 s0, $0xA;
	s2 =	sadd.s32 s3, s2  }
0x8d: {  	s2 =	sadd.s32 s2, s16  }
0x8e: {  	[smem:$0x3FC3] =	sst s2  }
0x8f: {  	_ = 	snop  }
0x90: {  	(tm) =	ssettm $0x1  }
0x91: {  	s17 =	sld [smem:$0x3FFB];
	_ =	sdelay $0x3  }
0x92: {  	_ =	strace s17  }
0x93: {  	s2 =	sld [smem:$0x3FFC];
	_ =	sdelay $0x3  }
0x94: {  	_ =	strace s2  }
0x95: {  	s2 =	sld [smem:$0x3FFD];
	_ =	sdelay $0x3  }
0x96: {  	_ =	strace s2  }
0x97: {  	_ =	strace $0x8FFFFFFF  }
0x98: {  	s18 =	sld [smem:$0x3FDB];
	_ =	sdelay $0x1  }
0x99: {  	s19 =	simm.s32 $_scs_section_size  }
0x9a: {  	s4 =	simm.s32 $_size__tile_overlayer_lowered;
	s5 =	simm.s32 $_tile_overlayer_lowered  }
0x9b: {  	s22 =	simm.s32 $0x1BFF;
	s21 =	sshll.u32 s5, $0x1;
	s2 =	sadd.s32 s19, s18  }
0x9c: {  	s6 =	simm.s32 $0x0;
	s20 =	sshll.u32 s4, $0x1;
	s4 =	sadd.s32 s21, s2  }
0x9d: {  	[timem:s6], [sflag:s22] =	dma.local [hbm:s4], s20  }
0x9e: {  	_ =	swait.ge [sflag:s22], s20  }
0x9f: {  	s3 =	ssub.s32 $0x0, s20;
	[sflag:s22] =	ssyncset.done $0x0  }
0xa0: {  	[sflag:s22] =	ssyncadd.s32 s3;
	_ =	sdelay $0x1  }
0xa1: {  	s23 =	simm.s32 $0x1B8B  }
0xa2: {  	_ =	swait.ge [sflag:s23], $0x1  }
0xa3: {  	[sflag:s23] =	ssyncset.done $0x0  }
0xa4: {  	s25 =	simm.s32 $0x1B8E;
	s24 =	sld [smem:$0x3FFE];
	[sflag:s23] =	ssyncadd.s32 $0xFFFFFFFF  }
0xa5: {  	s26 =	simm.s32 $execute0_lowered;
	[smem:$0x3FD2] =	sst s25  }
0xa6: {  	s4 =	sshll.u32 s26, $0x1;
	_ =	strace $0x80000046;
	[dreg:$0x1] =	wrdreg $0xFFFFFFFF  }
0xa7: {  	s28 =	simm.s32 $_size_execute0_lowered;
	s2 =	sadd.s32 s2, s4;
	[dreg:$0x0] =	wrdreg $0x0  }
0xa8: {  	s4 =	sshll.u32 s28, $0x1;
	[dreg:$0x2] =	wrdreg s2  }
0xa9: {  	[dreg:$0x3] =	wrdreg s4  }
0xaa: {  	[dreg:$0x4] =	wrdreg $0xC0  }
0xab: {  	_ =	task [dreg:s6], $0x5FFFF  }
0xac: {  	[dreg:$0x1] =	wrdreg $0xFFFFFFFF  }
0xad: {  	[dreg:$0x0] =	wrdreg $0x60  }
0xae: {  	[dreg:$0x2] =	wrdreg s24  }
0xaf: {  	[dreg:$0x3] =	wrdreg $0x80800  }
0xb0: {  	[dreg:$0x4] =	wrdreg $0xA  }
0xb1: {  	_ =	task.clear_ibuf [dreg:s6], $0x5FFFF;
	_ =	strace $0x90000046  }
0xb2: {  	s29 =	simm.s32 $0xA;
	_ =	strace $0x80000048  }
0xb3: {  	_ =	swait.ge [sflag:s29], $0x1  }
0xb4: {  	[sflag:s29] =	ssyncadd.s32 $0xFFFFFFFF  }
0xb5: {  	_ =	strace $0x90000048  }
0xb6: {  	_ =	sfence  }
0xb7: {  	s30 =	sld [smem:$0x0];
	_ =	sdelay $0x2  }
0xb8: {  	s31 =	sshll.u32 s1, $0xD;
	s1 =	sshrl.u32 s1, $0x2  }
0xb9: {  	s3 =	sand.u32 $0x4000, s31;
	s1 =	sadd.s32 s1, s30  }
0xba: {  	s0 =	sor.u32 s3, s0;
	s1 =	sshll.u32 s1, $0x11  }
0xbb: {  	s0 =	sor.u32 s1, s0  }
0xbc: {  	s0 =	sadd.s32 $0x8F2B, s0  }
0xbd: {  	[sflag:s0] =	ssyncadd.remote.s32 $0x1  }
0xbe: {  	_ =	sfence.sel $0xFFFF  }
0xbf: {  	[dreg:$0x0] =	wrdreg $0xFFFFFFFF;
	(pc) =	sbr.abs _section_cstart, $3  }
0xc0: {  	[dreg:$0x1] =	wrdreg $0xFFFFFFFF  }
0xc1: {  	_ =	task.clear_ibuf [dreg:s6], $0x2FFFF;
	_ =	strace $0x9FFFFFFF  }
0xc2: {  	(tm) =	ssettm $0x7FFFFFFF  }
0xc3: {  	_ =	shalt  }
tec
execute0_lowered:
.L_overlay_start_1:
0x0: {  	(tag) =	ssettag $0x1  }
0x1: {  	s4 =	rddreg [dreg:$0x0]  }
0x2: {  	s2 =	rddreg [dreg:$0x1];
	s1 =	stileid.u32  }
0x3: {  	s0 =	rddreg [dreg:$0x2];
	s3 =	simm.s32 $0x0;
	s5 =	smul.u32 $0x9E0, s1  }
0x4: {  	s6 =	srdreg.scid;
	s19 =	simm.s32 $0x0;
	s7 =	smul.u32 $0x50000, s1  }
0x5: {  	[smem:$0x7FF] =	sst s3;
	s11 =	sand.u32 $0x1, s6;
	s9 =	smul.u32 $0x14000, s1  }
0x6: {  	s13 =	sadd.s32 $0xAE00, s4;
	_ =	strace $0x80000047;
	s17 =	smul.u32 $0x140000, s11  }
0x7: {  	s24 =	ssub.s32 $0x2, s11;
	s28 =	smul.u32 $0x4F0, s11;
	s14 =	sadd.s32 s5, s4  }
0x8: {  	s25 =	sshrl.u32 s24, $0x1;
	s26 =	sshrl.u32 s7, $0x2;
	s10 =	sadd.s32 $0x4000, s9  }
0x9: {  	s12 =	sadd.s32 $0x8000, s9;
	s16 =	sadd.s32 $0xC000, s9;
	s18 =	sadd.s32 $0x10000, s9  }
0xa: {  	s15 =	ssub.s32 s24, s25;
	s4 =	sadd.s32 s26, s2;
	s5 =	sadd.s32 s10, s2  }
0xb: {  	s6 =	sadd.s32 s12, s2;
	s7 =	sadd.s32 s16, s2;
	s8 =	sadd.s32 s18, s2  }
0xc: {  	s9 =	sadd.s32 s9, s17;
	s10 =	sadd.s32 s17, s10;
	s12 =	sadd.s32 s17, s12  }
0xd: {  	s16 =	sadd.s32 s17, s16;
	s17 =	sadd.s32 s17, s18;
	s31 =	sadd.s32 s28, s14  }
0xe: {  	s18 =	simm.s32 $0x4080;
	s9 =	sshrl.u32 s9, $0x3;
	s10 =	sshrl.u32 s10, $0x3  }
0xf: {  	s12 =	sshrl.u32 s12, $0x3;
	s29 =	sshrl.u32 s16, $0x3;
	s30 =	sshrl.u32 s17, $0x3  }
0x10: {  	s14 =	smax.u32 s15, $0x1;
	s15 =	sadd.s32 $0x1000, s31;
	s16 =	simm.s32 $0x80  }
0x11: {  	s17 =	simm.s32 $0x1;
	s9 =	sadd.s32 s13, s9;
	s10 =	sadd.s32 s13, s10  }
0x12: {  	v0 =	vimm.f32 $0.0e+00;
	v1 =	vimm.f32 $1.000000000e+00;
	s11 =	sadd.s32 s13, s12;
	s12 =	sadd.s32 s13, s29;
	s13 =	sadd.s32 s13, s30  }
.LBB2_1:
0x13: {  	s20 =	simm.s32 $0x0;
	s21 =	simm.s32 $0x200  }
.LBB2_2:
0x14: {  	p0 =	sne.s32 s21, $0xFE00;
	[tilespmem:s20+$0xF0] =	vst v0  }
0x15: {  	[tilespmem:s20+$0x80] =	vst v0  }
0x16: {  	[tilespmem:s20+$0x90] =	vst v0  }
.Ltmp0:
0x17: {  	[tilespmem:s20+$0xA0] =	vst v0;
	(pc) =	sbr.rel @p0 .LBB2_2-.Ltmp0, $4  }
0x18: {  	[tilespmem:s20+$0xB0] =	vst v0  }
0x19: {  	[tilespmem:s20+$0xC0] =	vst v0  }
0x1a: {  	[tilespmem:s20+$0xD0] =	vst v0  }
0x1b: {  	[tilespmem:s20+$0xE0] =	vst v0;
	s20 =	sshra.s32 s21, $0x2;
	s21 =	sadd.s32 $0x200, s21  }
0x1c: {  	[tilespmem:s20+$0xF0] =	vst v0  }
0x1d: {  	[tilespmem:s20+$0x80] =	vst v0  }
0x1e: {  	[tilespmem:s20+$0x90] =	vst v0  }
0x1f: {  	[tilespmem:s20+$0xA0] =	vst v0  }
0x20: {  	[tilespmem:s20+$0xB0] =	vst v0  }
0x21: {  	[tilespmem:s20+$0xC0] =	vst v0  }
0x22: {  	[tilespmem:s20+$0xD0] =	vst v0  }
0x23: {  	[tilespmem:s20+$0xE0] =	vst v0  }
0x24: {  	[spmem:s4] =	stream.linear.scatter [tilespmem:s16], [sflag:$0x1], $0x4000, $0x38;
	[tilespmem:$0x1C080] =	vst v63  }
0x25: {  	_ =	swait.ge [sflag:s17], $0x4000  }
0x26: {  	[sflag:s17] =	ssyncset.done $0x0  }
0x27: {  	[sflag:s17] =	ssyncadd.s32 $0xFFFFC000  }
0x28: {  	[spmem:s5] =	stream.linear.scatter [tilespmem:s16], [sflag:$0x1], $0x4000, $0x38;
	[tilespmem:$0x1C080] =	vst v63  }
0x29: {  	_ =	swait.ge [sflag:s17], $0x4000  }
0x2a: {  	[sflag:s17] =	ssyncset.done $0x0  }
0x2b: {  	[sflag:s17] =	ssyncadd.s32 $0xFFFFC000  }
0x2c: {  	[spmem:s6] =	stream.linear.scatter [tilespmem:s16], [sflag:$0x1], $0x4000, $0x38;
	[tilespmem:$0x1C080] =	vst v63  }
0x2d: {  	_ =	swait.ge [sflag:s17], $0x4000  }
0x2e: {  	[sflag:s17] =	ssyncset.done $0x0  }
0x2f: {  	[sflag:s17] =	ssyncadd.s32 $0xFFFFC000  }
0x30: {  	[spmem:s7] =	stream.linear.scatter [tilespmem:s16], [sflag:$0x1], $0x4000, $0x38;
	[tilespmem:$0x1C080] =	vst v63  }
0x31: {  	_ =	swait.ge [sflag:s17], $0x4000  }
0x32: {  	[sflag:s17] =	ssyncset.done $0x0  }
0x33: {  	[sflag:s17] =	ssyncadd.s32 $0xFFFFC000  }
0x34: {  	[spmem:s8] =	stream.linear.scatter [tilespmem:s16], [sflag:$0x1], $0x4000, $0x38;
	[tilespmem:$0x1C080] =	vst v63  }
0x35: {  	_ =	swait.ge [sflag:s17], $0x4000  }
0x36: {  	[sflag:s17] =	ssyncset.done $0x0  }
0x37: {  	s20 =	simm.s32 $0x0;
	s21 =	simm.s32 $0x200;
	[sflag:s17] =	ssyncadd.s32 $0xFFFFC000  }
.LBB2_4:
0x38: {  	p0 =	sne.s32 s21, $0xFE00;
	[tilespmem:s20+$0x40F0] =	vst v1  }
0x39: {  	[tilespmem:s20+$0x4080] =	vst v1  }
0x3a: {  	[tilespmem:s20+$0x4090] =	vst v1  }
.Ltmp1:
0x3b: {  	[tilespmem:s20+$0x40A0] =	vst v1;
	(pc) =	sbr.rel @p0 .LBB2_4-.Ltmp1, $4  }
0x3c: {  	[tilespmem:s20+$0x40B0] =	vst v1  }
0x3d: {  	[tilespmem:s20+$0x40C0] =	vst v1  }
0x3e: {  	[tilespmem:s20+$0x40D0] =	vst v1  }
0x3f: {  	[tilespmem:s20+$0x40E0] =	vst v1;
	s20 =	sshra.s32 s21, $0x2;
	s21 =	sadd.s32 $0x200, s21  }
0x40: {  	[tilespmem:s20+$0x40F0] =	vst v1  }
0x41: {  	[tilespmem:s20+$0x4080] =	vst v1  }
0x42: {  	[tilespmem:s20+$0x4090] =	vst v1  }
0x43: {  	[tilespmem:s20+$0x40A0] =	vst v1  }
0x44: {  	[tilespmem:s20+$0x40B0] =	vst v1  }
0x45: {  	[tilespmem:s20+$0x40C0] =	vst v1  }
0x46: {  	[tilespmem:s20+$0x40D0] =	vst v1  }
0x47: {  	[tilespmem:s20+$0x40E0] =	vst v1  }
0x48: {  	s31 =	sadd.s32 $0x0, s15;
	[bflag:$0x0] =	sbarrier.arrive $0xFFFF  }
0x49: {  	[tilespmem:s3], [sflag:$0x1] =	stream.linear.gather [hbm4b:s31+s3], $0x80, $0x38;
	[tilespmem:$0x1C080] =	vst v63  }
0x4a: {  	_ =	swait.ge [sflag:s17], $0x80  }
0x4b: {  	[sflag:s17] =	ssyncset.done $0x0  }
0x4c: {  	[sflag:s17] =	ssyncadd.s32 $0xFFFFFF80  }
0x4d: {  	[spmem:s2] =	stream.indirect.scatter.add.f32 [tilespmem:s18], [sflag:$0x1], $0x80, s3, s16, $0xb8;
	[tilespmem:$0x1C080] =	vst v63  }
0x4e: {  	_ =	swait.ge [sflag:s17], $0x4000  }
0x4f: {  	s20 =	simm.s32 $0x10;
	s21 =	simm.s32 $0x20;
	[sflag:s17] =	ssyncset.done $0x0  }
.LBB2_6:
0x50: {  	s22 =	sadd.s32 s20, s15  }
0x51: {  	[sflag:s17] =	ssyncadd.s32 $0xFFFFC000;
	s20 =	smov.u32 s21;
	s23 =	sadd.s32 $0x10, s21  }
0x52: {  	[tilespmem:s3], [sflag:$0x1] =	stream.linear.gather [hbm4b:s22+s3], $0x80, $0x38;
	[tilespmem:$0x1C080] =	vst v63  }
0x53: {  	p0 =	sne.s32 s21, $0x4E0;
	_ =	swait.ge [sflag:s17], $0x80  }
.Ltmp2:
0x54: {  	[sflag:s17] =	ssyncset.done $0x0;
	(pc) =	sbr.rel @p0 .LBB2_6-.Ltmp2, $4  }
0x55: {  	[sflag:s17] =	ssyncadd.s32 $0xFFFFFF80  }
0x56: {  	[spmem:s2] =	stream.indirect.scatter.add.f32 [tilespmem:s18], [sflag:$0x1], $0x80, s3, s16, $0xb8;
	[tilespmem:$0x1C080] =	vst v63  }
0x57: {  	_ =	swait.ge [sflag:s17], $0x4000  }
0x58: {  	s21 =	smov.u32 s23;
	[sflag:s17] =	ssyncset.done $0x0  }
0x59: {  	s20 =	sadd.s32 s20, s15;
	[sflag:s17] =	ssyncadd.s32 $0xFFFFC000  }
0x5a: {  	[tilespmem:s3], [sflag:$0x1] =	stream.linear.gather [hbm4b:s20+s3], $0x80, $0x38;
	[tilespmem:$0x1C080] =	vst v63  }
0x5b: {  	_ =	swait.ge [sflag:s17], $0x80  }
0x5c: {  	[sflag:s17] =	ssyncset.done $0x0  }
0x5d: {  	[sflag:s17] =	ssyncadd.s32 $0xFFFFFF80  }
0x5e: {  	[spmem:s2] =	stream.indirect.scatter.add.f32 [tilespmem:s18], [sflag:$0x1], $0x80, s3, s16, $0xb8;
	[tilespmem:$0x1C080] =	vst v63  }
0x5f: {  	_ =	swait.ge [sflag:s17], $0x4000  }
0x60: {  	[sflag:s17] =	ssyncset.done $0x0  }
0x61: {  	[sflag:s17] =	ssyncadd.s32 $0xFFFFC000  }
0x62: {  	[bflag:$0x0] =	sbarrier.arrive $0xFFFF  }
0x63: {  	[tilespmem:s16], [sflag:$0x1] =	stream.linear.gather [spmem:s4], $0x4000, $0x38;
	[tilespmem:$0x1C080] =	vst v63  }
0x64: {  	_ =	swait.ge [sflag:s17], $0x4000  }
0x65: {  	[sflag:s17] =	ssyncset.done $0x0  }
0x66: {  	[sflag:s17] =	ssyncadd.s32 $0xFFFFC000  }
0x67: {  	[hbm4b:s9+s3] =	stream.linear.scatter [tilespmem:s16], [sflag:$0x1], $0x4000, $0x38;
	[tilespmem:$0x1C080] =	vst v63  }
0x68: {  	_ =	swait.ge [sflag:s17], $0x4000  }
0x69: {  	[sflag:s17] =	ssyncset.done $0x0  }
0x6a: {  	[sflag:s17] =	ssyncadd.s32 $0xFFFFC000  }
0x6b: {  	[tilespmem:s16], [sflag:$0x1] =	stream.linear.gather [spmem:s5], $0x4000, $0x38;
	[tilespmem:$0x1C080] =	vst v63  }
0x6c: {  	_ =	swait.ge [sflag:s17], $0x4000  }
0x6d: {  	[sflag:s17] =	ssyncset.done $0x0  }
0x6e: {  	[sflag:s17] =	ssyncadd.s32 $0xFFFFC000  }
0x6f: {  	[hbm4b:s10+s3] =	stream.linear.scatter [tilespmem:s16], [sflag:$0x1], $0x4000, $0x38;
	[tilespmem:$0x1C080] =	vst v63  }
0x70: {  	_ =	swait.ge [sflag:s17], $0x4000  }
0x71: {  	[sflag:s17] =	ssyncset.done $0x0  }
0x72: {  	[sflag:s17] =	ssyncadd.s32 $0xFFFFC000  }
0x73: {  	[tilespmem:s16], [sflag:$0x1] =	stream.linear.gather [spmem:s6], $0x4000, $0x38;
	[tilespmem:$0x1C080] =	vst v63  }
0x74: {  	_ =	swait.ge [sflag:s17], $0x4000  }
0x75: {  	[sflag:s17] =	ssyncset.done $0x0  }
0x76: {  	[sflag:s17] =	ssyncadd.s32 $0xFFFFC000  }
0x77: {  	[hbm4b:s11+s3] =	stream.linear.scatter [tilespmem:s16], [sflag:$0x1], $0x4000, $0x38;
	[tilespmem:$0x1C080] =	vst v63  }
0x78: {  	_ =	swait.ge [sflag:s17], $0x4000  }
0x79: {  	[sflag:s17] =	ssyncset.done $0x0  }
0x7a: {  	[sflag:s17] =	ssyncadd.s32 $0xFFFFC000  }
0x7b: {  	[tilespmem:s16], [sflag:$0x1] =	stream.linear.gather [spmem:s7], $0x4000, $0x38;
	[tilespmem:$0x1C080] =	vst v63  }
0x7c: {  	_ =	swait.ge [sflag:s17], $0x4000  }
0x7d: {  	[sflag:s17] =	ssyncset.done $0x0  }
0x7e: {  	[sflag:s17] =	ssyncadd.s32 $0xFFFFC000  }
0x7f: {  	[hbm4b:s12+s3] =	stream.linear.scatter [tilespmem:s16], [sflag:$0x1], $0x4000, $0x38;
	[tilespmem:$0x1C080] =	vst v63  }
0x80: {  	_ =	swait.ge [sflag:s17], $0x4000  }
0x81: {  	[sflag:s17] =	ssyncset.done $0x0  }
0x82: {  	[sflag:s17] =	ssyncadd.s32 $0xFFFFC000  }
0x83: {  	[tilespmem:s16], [sflag:$0x1] =	stream.linear.gather [spmem:s8], $0x4000, $0x38;
	[tilespmem:$0x1C080] =	vst v63  }
0x84: {  	s19 =	sadd.s32 $0x1, s19;
	_ =	swait.ge [sflag:s17], $0x4000  }
0x85: {  	p0 =	sne.s32 s19, s14;
	[sflag:s17] =	ssyncset.done $0x0  }
.Ltmp3:
0x86: {  	[sflag:s17] =	ssyncadd.s32 $0xFFFFC000;
	(pc) =	sbr.rel @p0 .LBB2_1-.Ltmp3, $4  }
0x87: {  	[hbm4b:s13+s3] =	stream.linear.scatter [tilespmem:s16], [sflag:$0x1], $0x4000, $0x38;
	[tilespmem:$0x1C080] =	vst v63  }
0x88: {  	_ =	swait.ge [sflag:s17], $0x4000  }
0x89: {  	[sflag:s17] =	ssyncset.done $0x0  }
0x8a: {  	[sflag:s17] =	ssyncadd.s32 $0xFFFFC000  }
0x8b: {  	_ =	sfence.sel $0x180000  }
0x8c: {  	[bflag:$0x0] =	sbarrier.arrive $0xFFFF  }
0x8d: {  	p0 =	sne.s32 s1, $0x0;
	_ =	strace $0x90000047  }
0x8e: {  	s0 =	sadd.s32 @!p0 $0x100000, s0;
	[bflag:$0x2] =	sbarrier.arrive $0xFFFF  }
0x8f: {  	[sflag:s0] =	ssyncadd.tile.s32 @!p0 $0x1;
	_ =	shalt  }
.Lfunc_end2:
_tile_overlayer_lowered:
.L_overlay_start_2:
0x90: {  	(tag) =	ssettag $0x2  }
0x91: {  	s0 =	rddreg [dreg:$0x0];
	s2 =	stileid.u32  }
0x92: {  	s1 =	rddreg [dreg:$0x1];
	p0 =	sne.s32 s2, $0x0  }
0x93: {  	s3 =	rddreg [dreg:$0x2];
	[bflag:$0x3] =	sbarrier.arrive $0xFFFF;
	s2 =	simm.s32 @!p0 $0x1C01  }
0x94: {  	[timem:s3], [sflag:s2] =	dma.local @!p0 [hbm:s0], s1  }
0x95: {  	s0 =	simm.s32 @!p0 $0x1  }
0x96: {  	_ =	swait.ge @!p0 [sflag:s0], s1  }
0x97: {  	s1 =	ssub.s32 @!p0 $0x0, s1;
	[sflag:s0] =	ssyncset.done @!p0 $0x0  }
0x98: {  	[sflag:s0] =	ssyncadd.s32 @!p0 s1  }
0x99: {  	[bflag:$0x3] =	sbarrier.arrive $0xFFFF  }
0x9a: {  	_ =	shalt  }

</sc_bundles>
